<compile_context>
chip_gen: v7x
topology: tpu7x:2x2x1
jax: 0.10.2.dev20260603
libtpu: 0.0.44.dev20260713+nightly
codegen_flags: <defaults>
</compile_context>

<pallas_src>
import jax
import jax.numpy as jnp
from jax import lax
from jax.experimental import pallas as pl
from jax.experimental.pallas import tpu as pltpu
from jax.experimental.pallas import tpu_sc as plsc

C = 256
N = 160000
S = 1024

BN = 6400
NB = N // BN

NC = 2
NS = 16
NW = NC * NS
CPW = C // NW
CHUNK = 3200
NCHUNKS = N // CHUNK
VPC = CHUNK // 16
L = 16


W = 256


def _means_body(sp_ref, x_ref, out_ref, acc, cnt):
    j = pl.program_id(0)

    @pl.when(j == 0)
    def _init():
        acc[...] = jnp.zeros_like(acc)
        cnt[...] = jnp.zeros_like(cnt)

    sp_b = sp_ref[0, 0, :]
    xb = x_ref[...]
    smin = jnp.min(sp_b)
    smax = jnp.max(sp_b)
    off = pl.multiple_of(jnp.minimum((smin // 128) * 128, S - W), 128)
    in_window = (smax - off) < W

    @pl.when(in_window)
    def _narrow():
        rel = sp_b - off
        oh = (rel[:, None] == lax.broadcasted_iota(jnp.int32, (BN, W), 1)).astype(
            jnp.float32
        )
        acc[:, pl.ds(off, W)] += lax.dot_general(
            xb, oh, (((1,), (0,)), ((), ())), preferred_element_type=jnp.float32
        )
        cnt[:, pl.ds(off, W)] += jnp.sum(oh, axis=0, dtype=jnp.float32, keepdims=True)

    @pl.when(jnp.logical_not(in_window))
    def _full():
        for wo in range(0, S, W):
            oh = (
                (sp_b[:, None] - wo)
                == lax.broadcasted_iota(jnp.int32, (BN, W), 1)
            ).astype(jnp.float32)
            acc[:, wo : wo + W] += lax.dot_general(
                xb, oh, (((1,), (0,)), ((), ())), preferred_element_type=jnp.float32
            )
            cnt[:, wo : wo + W] += jnp.sum(
                oh, axis=0, dtype=jnp.float32, keepdims=True
            )

    @pl.when(j == NB - 1)
    def _emit():
        out_ref[...] = acc[...] * (1.0 / jnp.maximum(cnt[...], 1.0))


def _tc_means(x, sp3):
    return pl.pallas_call(
        _means_body,
        grid=(NB,),
        in_specs=[
            pl.BlockSpec((1, 1, BN), lambda j: (j, 0, 0)),
            pl.BlockSpec((C, BN), lambda j: (0, j)),
        ],
        out_specs=pl.BlockSpec((C, S), lambda j: (0, 0)),
        out_shape=jax.ShapeDtypeStruct((C, S), jnp.float32),
        scratch_shapes=[
            pltpu.VMEM((C, S), jnp.float32),
            pltpu.VMEM((1, S), jnp.float32),
        ],
    )(sp3, x)


def _bcast_body(means_hbm, sp_hbm, out_hbm, mbufs, obufs, sp_vs, msem, sp_sems, out_sems):
    wid = lax.axis_index("s") * NC + lax.axis_index("c")
    c0 = wid * CPW

    dms = [
        pltpu.async_copy(means_hbm.at[pl.ds((c0 + ci) * S, S)], mbufs[ci], msem)
        for ci in range(CPW)
    ]
    for d in dms:
        d.wait()

    for b in range(2):
        pltpu.async_copy(sp_hbm.at[pl.ds(b * CHUNK, CHUNK)], sp_vs[b], sp_sems[b])

    def pair_body(m, carry):
        for b in range(2):
            n0 = (2 * m + b) * CHUNK
            pltpu.make_async_copy(
                sp_hbm.at[pl.ds(n0, CHUNK)], sp_vs[b], sp_sems[b]
            ).wait()

            @pl.when(m > 0)
            def _drain(b=b, n0=n0):
                pltpu.make_async_copy(
                    obufs[b],
                    out_hbm.at[pl.ds(c0, CPW), pl.ds(n0 - 2 * CHUNK, CHUNK)],
                    out_sems[b],
                ).wait()

            @plsc.parallel_loop(0, VPC, unroll=8)
            def vec_body(j, b=b):
                off = j * L
                iv = sp_vs[b][pl.ds(off, L)]
                gs = [plsc.load_gather(mbufs[ci], [iv]) for ci in range(CPW)]
                for ci in range(CPW):
                    obufs[b][ci, pl.ds(off, L)] = gs[ci]

            pltpu.async_copy(
                obufs[b], out_hbm.at[pl.ds(c0, CPW), pl.ds(n0, CHUNK)], out_sems[b]
            )

            @pl.when(2 * m + b + 2 < NCHUNKS)
            def _prefetch(b=b, n0=n0):
                pltpu.async_copy(
                    sp_hbm.at[pl.ds(n0 + 2 * CHUNK, CHUNK)], sp_vs[b], sp_sems[b]
                )

        return carry

    lax.fori_loop(0, NCHUNKS // 2, pair_body, 0)

    for b in range(2):
        pltpu.make_async_copy(
            obufs[b],
            out_hbm.at[pl.ds(c0, CPW), pl.ds((NCHUNKS - 2 + b) * CHUNK, CHUNK)],
            out_sems[b],
        ).wait()


def _sc_broadcast(means_flat, sp):
    mesh = plsc.VectorSubcoreMesh(core_axis_name="c", subcore_axis_name="s")
    f = pl.kernel(
        _bcast_body,
        out_type=jax.ShapeDtypeStruct((C, N), jnp.float32),
        mesh=mesh,
        compiler_params=pltpu.CompilerParams(needs_layout_passes=False),
        scratch_types=[
            [pltpu.VMEM((S,), jnp.float32) for _ in range(CPW)],
            [pltpu.VMEM((CPW, CHUNK), jnp.float32) for _ in range(2)],
            [pltpu.VMEM((CHUNK,), jnp.int32) for _ in range(2)],
            pltpu.SemaphoreType.DMA,
            [pltpu.SemaphoreType.DMA for _ in range(2)],
            [pltpu.SemaphoreType.DMA for _ in range(2)],
        ],
    )
    return f(means_flat, sp)


@jax.jit
def _sp_norm(x, sp):
    means = _tc_means(x, sp.reshape(NB, 1, BN))
    return _sc_broadcast(means.reshape(C * S), sp)


def kernel(x, sp):
    return _sp_norm(x, sp)

# --- scband reference (transcript-rebuilt; emitter-appended) ---
"""Pipeline reference for scband-sp-norm-49495203119465 (READ-ONLY COPY).

The authoritative reference and input builder live on the scoring server;
editing this copy changes nothing except your own understanding.
"""

import jax, jax.numpy as jnp
import numpy as np

C = 256
N = 160000
S = 1024


def setup_inputs(seed: int = 0) -> dict:
    key = jax.random.key(seed)
    k1, k2 = jax.random.split(key)
    x = jax.random.normal(k1, (C, N), dtype=jnp.float32)
    sp = jnp.sort(jax.random.randint(k2, (N,), 0, S, dtype=jnp.int32))
    return {"x": x, "sp": sp}


def reference(x, sp):
    # Faithful interpretation of SP_norm: per-channel, per-superpixel mean
    # broadcast back to every element of that superpixel.
    num_segments = S
    # (dead-code in the original: global mean/var computed but unused)
    x_mean = jnp.mean(x, axis=0)
    x_var = jnp.var(x, axis=0)
    ones = jnp.ones((x.shape[1],), dtype=x.dtype)
    cnt = jax.ops.segment_sum(ones, sp, num_segments=num_segments)  # [S]
    sums = jax.ops.segment_sum(x.T, sp, num_segments=num_segments)  # [S, C]
    means = sums / jnp.maximum(cnt, 1.0)[:, None]                   # [S, C]
    out = jnp.take(means, sp, axis=0).T                             # [C, N]
    return out

if __name__ == "__main__":
    import jax
    _d = setup_inputs()
    print(jax.jit(kernel)(*tuple(_d.values())))

</pallas_src>

<mosaic_0001>
#map = affine_map<(d0, d1) -> (0)>
#map1 = affine_map<(d0, d1) -> (0, 0)>
module attributes {stable_mosaic.version = 14 : i64} {
  func.func @_bcast_body(%arg0: i32, %arg1: i32, %arg2: memref<262144xf32, #tpu.memory_space<hbm>>, %arg3: memref<160000xi32, #tpu.memory_space<hbm>>, %arg4: memref<256x160000xf32, #tpu.memory_space<hbm>>, %arg5: memref<1024xf32, #tpu.memory_space<vmem>>, %arg6: memref<1024xf32, #tpu.memory_space<vmem>>, %arg7: memref<1024xf32, #tpu.memory_space<vmem>>, %arg8: memref<1024xf32, #tpu.memory_space<vmem>>, %arg9: memref<1024xf32, #tpu.memory_space<vmem>>, %arg10: memref<1024xf32, #tpu.memory_space<vmem>>, %arg11: memref<1024xf32, #tpu.memory_space<vmem>>, %arg12: memref<1024xf32, #tpu.memory_space<vmem>>, %arg13: memref<8x3200xf32, #tpu.memory_space<vmem>>, %arg14: memref<8x3200xf32, #tpu.memory_space<vmem>>, %arg15: memref<3200xi32, #tpu.memory_space<vmem>>, %arg16: memref<3200xi32, #tpu.memory_space<vmem>>, %arg17: memref<!tpu.dma_semaphore, #tpu.memory_space<semaphore_mem>>, %arg18: memref<!tpu.dma_semaphore, #tpu.memory_space<semaphore_mem>>, %arg19: memref<!tpu.dma_semaphore, #tpu.memory_space<semaphore_mem>>, %arg20: memref<!tpu.dma_semaphore, #tpu.memory_space<semaphore_mem>>, %arg21: memref<!tpu.dma_semaphore, #tpu.memory_space<semaphore_mem>>) attributes {dimension_semantics = [#tpu.dimension_semantics<core_parallel>, #tpu.dimension_semantics<subcore_parallel>], iteration_bounds = array<i64: 2, 16>, scalar_prefetch = 0 : i64, scratch_operands = 17 : i64, tpu.core_type = #tpu.core_type<sc_vector_subcore>, window_params = [{transform_indices = #map}, {transform_indices = #map}, {transform_indices = #map1}]} {
    %mul3A = arith.constant 2 : i32
    %mul3A_0 = arith.muli %arg1, %mul3A : i32
    %add3A = arith.addi %mul3A_0, %arg0 : i32
    %mul3A_1 = arith.constant 8 : i32
    %mul3A_2 = arith.muli %add3A, %mul3A_1 : i32
    %add3A_3 = arith.constant 0 : i32
    %add3A_4 = arith.addi %mul3A_2, %add3A_3 : i32
    %mul3A_5 = arith.constant 1024 : i32
    %mul3A_6 = arith.muli %add3A_4, %mul3A_5 : i32
    %dma_start3A = tpu.memref_slice %arg2[%mul3A_6] : memref<262144xf32, #tpu.memory_space<hbm>> -> memref<1024xf32, #tpu.memory_space<hbm>>
    %dma_start3A_7 = tpu.memref_slice %arg2[%mul3A_6] : memref<262144xf32, #tpu.memory_space<hbm>> -> memref<1024xf32, #tpu.memory_space<hbm>>
    tpu.enqueue_dma source(%dma_start3A_7 : memref<1024xf32, #tpu.memory_space<hbm>>) target(%arg5 : memref<1024xf32, #tpu.memory_space<vmem>>) target_semaphore(%arg17 : memref<!tpu.dma_semaphore, #tpu.memory_space<semaphore_mem>>)
    %add3A_8 = arith.constant 1 : i32
    %add3A_9 = arith.addi %mul3A_2, %add3A_8 : i32
    %mul3A_10 = arith.constant 1024 : i32
    %mul3A_11 = arith.muli %add3A_9, %mul3A_10 : i32
    %dma_start3A_12 = tpu.memref_slice %arg2[%mul3A_11] : memref<262144xf32, #tpu.memory_space<hbm>> -> memref<1024xf32, #tpu.memory_space<hbm>>
    %dma_start3A_13 = tpu.memref_slice %arg2[%mul3A_11] : memref<262144xf32, #tpu.memory_space<hbm>> -> memref<1024xf32, #tpu.memory_space<hbm>>
    tpu.enqueue_dma source(%dma_start3A_13 : memref<1024xf32, #tpu.memory_space<hbm>>) target(%arg6 : memref<1024xf32, #tpu.memory_space<vmem>>) target_semaphore(%arg17 : memref<!tpu.dma_semaphore, #tpu.memory_space<semaphore_mem>>)
    %add3A_14 = arith.constant 2 : i32
    %add3A_15 = arith.addi %mul3A_2, %add3A_14 : i32
    %mul3A_16 = arith.constant 1024 : i32
    %mul3A_17 = arith.muli %add3A_15, %mul3A_16 : i32
    %dma_start3A_18 = tpu.memref_slice %arg2[%mul3A_17] : memref<262144xf32, #tpu.memory_space<hbm>> -> memref<1024xf32, #tpu.memory_space<hbm>>
    %dma_start3A_19 = tpu.memref_slice %arg2[%mul3A_17] : memref<262144xf32, #tpu.memory_space<hbm>> -> memref<1024xf32, #tpu.memory_space<hbm>>
    tpu.enqueue_dma source(%dma_start3A_19 : memref<1024xf32, #tpu.memory_space<hbm>>) target(%arg7 : memref<1024xf32, #tpu.memory_space<vmem>>) target_semaphore(%arg17 : memref<!tpu.dma_semaphore, #tpu.memory_space<semaphore_mem>>)
    %add3A_20 = arith.constant 3 : i32
    %add3A_21 = arith.addi %mul3A_2, %add3A_20 : i32
    %mul3A_22 = arith.constant 1024 : i32
    %mul3A_23 = arith.muli %add3A_21, %mul3A_22 : i32
    %dma_start3A_24 = tpu.memref_slice %arg2[%mul3A_23] : memref<262144xf32, #tpu.memory_space<hbm>> -> memref<1024xf32, #tpu.memory_space<hbm>>
    %dma_start3A_25 = tpu.memref_slice %arg2[%mul3A_23] : memref<262144xf32, #tpu.memory_space<hbm>> -> memref<1024xf32, #tpu.memory_space<hbm>>
    tpu.enqueue_dma source(%dma_start3A_25 : memref<1024xf32, #tpu.memory_space<hbm>>) target(%arg8 : memref<1024xf32, #tpu.memory_space<vmem>>) target_semaphore(%arg17 : memref<!tpu.dma_semaphore, #tpu.memory_space<semaphore_mem>>)
    %add3A_26 = arith.constant 4 : i32
    %add3A_27 = arith.addi %mul3A_2, %add3A_26 : i32
    %mul3A_28 = arith.constant 1024 : i32
    %mul3A_29 = arith.muli %add3A_27, %mul3A_28 : i32
    %dma_start3A_30 = tpu.memref_slice %arg2[%mul3A_29] : memref<262144xf32, #tpu.memory_space<hbm>> -> memref<1024xf32, #tpu.memory_space<hbm>>
    %dma_start3A_31 = tpu.memref_slice %arg2[%mul3A_29] : memref<262144xf32, #tpu.memory_space<hbm>> -> memref<1024xf32, #tpu.memory_space<hbm>>
    tpu.enqueue_dma source(%dma_start3A_31 : memref<1024xf32, #tpu.memory_space<hbm>>) target(%arg9 : memref<1024xf32, #tpu.memory_space<vmem>>) target_semaphore(%arg17 : memref<!tpu.dma_semaphore, #tpu.memory_space<semaphore_mem>>)
    %add3A_32 = arith.constant 5 : i32
    %add3A_33 = arith.addi %mul3A_2, %add3A_32 : i32
    %mul3A_34 = arith.constant 1024 : i32
    %mul3A_35 = arith.muli %add3A_33, %mul3A_34 : i32
    %dma_start3A_36 = tpu.memref_slice %arg2[%mul3A_35] : memref<262144xf32, #tpu.memory_space<hbm>> -> memref<1024xf32, #tpu.memory_space<hbm>>
    %dma_start3A_37 = tpu.memref_slice %arg2[%mul3A_35] : memref<262144xf32, #tpu.memory_space<hbm>> -> memref<1024xf32, #tpu.memory_space<hbm>>
    tpu.enqueue_dma source(%dma_start3A_37 : memref<1024xf32, #tpu.memory_space<hbm>>) target(%arg10 : memref<1024xf32, #tpu.memory_space<vmem>>) target_semaphore(%arg17 : memref<!tpu.dma_semaphore, #tpu.memory_space<semaphore_mem>>)
    %add3A_38 = arith.constant 6 : i32
    %add3A_39 = arith.addi %mul3A_2, %add3A_38 : i32
    %mul3A_40 = arith.constant 1024 : i32
    %mul3A_41 = arith.muli %add3A_39, %mul3A_40 : i32
    %dma_start3A_42 = tpu.memref_slice %arg2[%mul3A_41] : memref<262144xf32, #tpu.memory_space<hbm>> -> memref<1024xf32, #tpu.memory_space<hbm>>
    %dma_start3A_43 = tpu.memref_slice %arg2[%mul3A_41] : memref<262144xf32, #tpu.memory_space<hbm>> -> memref<1024xf32, #tpu.memory_space<hbm>>
    tpu.enqueue_dma source(%dma_start3A_43 : memref<1024xf32, #tpu.memory_space<hbm>>) target(%arg11 : memref<1024xf32, #tpu.memory_space<vmem>>) target_semaphore(%arg17 : memref<!tpu.dma_semaphore, #tpu.memory_space<semaphore_mem>>)
    %add3A_44 = arith.constant 7 : i32
    %add3A_45 = arith.addi %mul3A_2, %add3A_44 : i32
    %mul3A_46 = arith.constant 1024 : i32
    %mul3A_47 = arith.muli %add3A_45, %mul3A_46 : i32
    %dma_start3A_48 = tpu.memref_slice %arg2[%mul3A_47] : memref<262144xf32, #tpu.memory_space<hbm>> -> memref<1024xf32, #tpu.memory_space<hbm>>
    %dma_start3A_49 = tpu.memref_slice %arg2[%mul3A_47] : memref<262144xf32, #tpu.memory_space<hbm>> -> memref<1024xf32, #tpu.memory_space<hbm>>
    tpu.enqueue_dma source(%dma_start3A_49 : memref<1024xf32, #tpu.memory_space<hbm>>) target(%arg12 : memref<1024xf32, #tpu.memory_space<vmem>>) target_semaphore(%arg17 : memref<!tpu.dma_semaphore, #tpu.memory_space<semaphore_mem>>)
    %dma_wait3A = tpu.memref_slice %arg2[%mul3A_6] : memref<262144xf32, #tpu.memory_space<hbm>> -> memref<1024xf32, #tpu.memory_space<hbm>>
    %dma_wait3A_50 = tpu.memref_slice %arg2[%mul3A_6] : memref<262144xf32, #tpu.memory_space<hbm>> -> memref<1024xf32, #tpu.memory_space<hbm>>
    tpu.wait_dma2 semaphore(%arg17 : memref<!tpu.dma_semaphore, #tpu.memory_space<semaphore_mem>>) src(%dma_wait3A_50 : memref<1024xf32, #tpu.memory_space<hbm>>) dst(%arg5 : memref<1024xf32, #tpu.memory_space<vmem>>)
    %dma_wait3A_51 = tpu.memref_slice %arg2[%mul3A_11] : memref<262144xf32, #tpu.memory_space<hbm>> -> memref<1024xf32, #tpu.memory_space<hbm>>
    %dma_wait3A_52 = tpu.memref_slice %arg2[%mul3A_11] : memref<262144xf32, #tpu.memory_space<hbm>> -> memref<1024xf32, #tpu.memory_space<hbm>>
    tpu.wait_dma2 semaphore(%arg17 : memref<!tpu.dma_semaphore, #tpu.memory_space<semaphore_mem>>) src(%dma_wait3A_52 : memref<1024xf32, #tpu.memory_space<hbm>>) dst(%arg6 : memref<1024xf32, #tpu.memory_space<vmem>>)
    %dma_wait3A_53 = tpu.memref_slice %arg2[%mul3A_17] : memref<262144xf32, #tpu.memory_space<hbm>> -> memref<1024xf32, #tpu.memory_space<hbm>>
    %dma_wait3A_54 = tpu.memref_slice %arg2[%mul3A_17] : memref<262144xf32, #tpu.memory_space<hbm>> -> memref<1024xf32, #tpu.memory_space<hbm>>
    tpu.wait_dma2 semaphore(%arg17 : memref<!tpu.dma_semaphore, #tpu.memory_space<semaphore_mem>>) src(%dma_wait3A_54 : memref<1024xf32, #tpu.memory_space<hbm>>) dst(%arg7 : memref<1024xf32, #tpu.memory_space<vmem>>)
    %dma_wait3A_55 = tpu.memref_slice %arg2[%mul3A_23] : memref<262144xf32, #tpu.memory_space<hbm>> -> memref<1024xf32, #tpu.memory_space<hbm>>
    %dma_wait3A_56 = tpu.memref_slice %arg2[%mul3A_23] : memref<262144xf32, #tpu.memory_space<hbm>> -> memref<1024xf32, #tpu.memory_space<hbm>>
    tpu.wait_dma2 semaphore(%arg17 : memref<!tpu.dma_semaphore, #tpu.memory_space<semaphore_mem>>) src(%dma_wait3A_56 : memref<1024xf32, #tpu.memory_space<hbm>>) dst(%arg8 : memref<1024xf32, #tpu.memory_space<vmem>>)
    %dma_wait3A_57 = tpu.memref_slice %arg2[%mul3A_29] : memref<262144xf32, #tpu.memory_space<hbm>> -> memref<1024xf32, #tpu.memory_space<hbm>>
    %dma_wait3A_58 = tpu.memref_slice %arg2[%mul3A_29] : memref<262144xf32, #tpu.memory_space<hbm>> -> memref<1024xf32, #tpu.memory_space<hbm>>
    tpu.wait_dma2 semaphore(%arg17 : memref<!tpu.dma_semaphore, #tpu.memory_space<semaphore_mem>>) src(%dma_wait3A_58 : memref<1024xf32, #tpu.memory_space<hbm>>) dst(%arg9 : memref<1024xf32, #tpu.memory_space<vmem>>)
    %dma_wait3A_59 = tpu.memref_slice %arg2[%mul3A_35] : memref<262144xf32, #tpu.memory_space<hbm>> -> memref<1024xf32, #tpu.memory_space<hbm>>
    %dma_wait3A_60 = tpu.memref_slice %arg2[%mul3A_35] : memref<262144xf32, #tpu.memory_space<hbm>> -> memref<1024xf32, #tpu.memory_space<hbm>>
    tpu.wait_dma2 semaphore(%arg17 : memref<!tpu.dma_semaphore, #tpu.memory_space<semaphore_mem>>) src(%dma_wait3A_60 : memref<1024xf32, #tpu.memory_space<hbm>>) dst(%arg10 : memref<1024xf32, #tpu.memory_space<vmem>>)
    %dma_wait3A_61 = tpu.memref_slice %arg2[%mul3A_41] : memref<262144xf32, #tpu.memory_space<hbm>> -> memref<1024xf32, #tpu.memory_space<hbm>>
    %dma_wait3A_62 = tpu.memref_slice %arg2[%mul3A_41] : memref<262144xf32, #tpu.memory_space<hbm>> -> memref<1024xf32, #tpu.memory_space<hbm>>
    tpu.wait_dma2 semaphore(%arg17 : memref<!tpu.dma_semaphore, #tpu.memory_space<semaphore_mem>>) src(%dma_wait3A_62 : memref<1024xf32, #tpu.memory_space<hbm>>) dst(%arg11 : memref<1024xf32, #tpu.memory_space<vmem>>)
    %dma_wait3A_63 = tpu.memref_slice %arg2[%mul3A_47] : memref<262144xf32, #tpu.memory_space<hbm>> -> memref<1024xf32, #tpu.memory_space<hbm>>
    %dma_wait3A_64 = tpu.memref_slice %arg2[%mul3A_47] : memref<262144xf32, #tpu.memory_space<hbm>> -> memref<1024xf32, #tpu.memory_space<hbm>>
    tpu.wait_dma2 semaphore(%arg17 : memref<!tpu.dma_semaphore, #tpu.memory_space<semaphore_mem>>) src(%dma_wait3A_64 : memref<1024xf32, #tpu.memory_space<hbm>>) dst(%arg12 : memref<1024xf32, #tpu.memory_space<vmem>>)
    %dma_start3A_65 = arith.constant 0 : i32
    %dma_start3A_66 = tpu.memref_slice %arg3[%dma_start3A_65] : memref<160000xi32, #tpu.memory_space<hbm>> -> memref<3200xi32, #tpu.memory_space<hbm>>
    %dma_start3A_67 = arith.constant 0 : i32
    %dma_start3A_68 = tpu.memref_slice %arg3[%dma_start3A_67] : memref<160000xi32, #tpu.memory_space<hbm>> -> memref<3200xi32, #tpu.memory_space<hbm>>
    tpu.enqueue_dma source(%dma_start3A_68 : memref<3200xi32, #tpu.memory_space<hbm>>) target(%arg15 : memref<3200xi32, #tpu.memory_space<vmem>>) target_semaphore(%arg18 : memref<!tpu.dma_semaphore, #tpu.memory_space<semaphore_mem>>)
    %dma_start3A_69 = arith.constant 3200 : i32
    %dma_start3A_70 = tpu.memref_slice %arg3[%dma_start3A_69] : memref<160000xi32, #tpu.memory_space<hbm>> -> memref<3200xi32, #tpu.memory_space<hbm>>
    %dma_start3A_71 = arith.constant 3200 : i32
    %dma_start3A_72 = tpu.memref_slice %arg3[%dma_start3A_71] : memref<160000xi32, #tpu.memory_space<hbm>> -> memref<3200xi32, #tpu.memory_space<hbm>>
    tpu.enqueue_dma source(%dma_start3A_72 : memref<3200xi32, #tpu.memory_space<hbm>>) target(%arg16 : memref<3200xi32, #tpu.memory_space<vmem>>) target_semaphore(%arg19 : memref<!tpu.dma_semaphore, #tpu.memory_space<semaphore_mem>>)
    %scan3A = arith.constant 0 : i32
    %scan3A_73 = arith.constant 0 : i32
    %scan3A_74 = arith.constant 25 : i32
    %scan3A_75 = arith.addi %scan3A_73, %scan3A_74 : i32
    %scan3A_76 = arith.constant 1 : i32
    scf.for %scan3A_86 = %scan3A_73 to %scan3A_75 step %scan3A_76  : i32 {
      %mul3A_87 = arith.constant 2 : i32
      %mul3A_88 = arith.muli %mul3A_87, %scan3A_86 : i32
      %add3A_89 = arith.constant 0 : i32
      %add3A_90 = arith.addi %mul3A_88, %add3A_89 : i32
      %mul3A_91 = arith.constant 3200 : i32
      %mul3A_92 = arith.muli %add3A_90, %mul3A_91 : i32
      %dma_wait3A_93 = tpu.memref_slice %arg3[%mul3A_92] : memref<160000xi32, #tpu.memory_space<hbm>> -> memref<3200xi32, #tpu.memory_space<hbm>>
      %dma_wait3A_94 = tpu.memref_slice %arg3[%mul3A_92] : memref<160000xi32, #tpu.memory_space<hbm>> -> memref<3200xi32, #tpu.memory_space<hbm>>
      tpu.wait_dma2 semaphore(%arg18 : memref<!tpu.dma_semaphore, #tpu.memory_space<semaphore_mem>>) src(%dma_wait3A_94 : memref<3200xi32, #tpu.memory_space<hbm>>) dst(%arg15 : memref<3200xi32, #tpu.memory_space<vmem>>)
      %gt3A = arith.constant 0 : i32
      %gt3A_95 = arith.cmpi sgt, %scan3A_86, %gt3A : i32
      %convert_element_type3A = arith.extui %gt3A_95 : i1 to i32
      %cond3A = arith.constant 0 : i32
      %cond3A_96 = arith.cmpi ne, %convert_element_type3A, %cond3A : i32
      scf.if %cond3A_96 {
        %sub3A = arith.constant 6400 : i32
        %sub3A_140 = arith.subi %mul3A_92, %sub3A : i32
        %dma_wait3A_141 = tpu.memref_slice %arg4[%mul3A_2, %sub3A_140] : memref<256x160000xf32, #tpu.memory_space<hbm>> -> memref<8x3200xf32, #tpu.memory_space<hbm>>
        %dma_wait3A_142 = tpu.memref_slice %arg4[%mul3A_2, %sub3A_140] : memref<256x160000xf32, #tpu.memory_space<hbm>> -> memref<8x3200xf32, #tpu.memory_space<hbm>>
        tpu.wait_dma2 semaphore(%arg20 : memref<!tpu.dma_semaphore, #tpu.memory_space<semaphore_mem>>) src(%arg13 : memref<8x3200xf32, #tpu.memory_space<vmem>>) dst(%dma_wait3A_142 : memref<8x3200xf32, #tpu.memory_space<hbm>>)
      } else {
      }
      %parallel_loop3A = arith.constant 0 : i32
      %parallel_loop3A_97 = arith.constant 200 : i32
      %parallel_loop3A_98 = arith.constant 1 : i32
      scf.for %parallel_loop3A_140 = %parallel_loop3A to %parallel_loop3A_97 step %parallel_loop3A_98  : i32 {
        %parallel_loop3A_141 = arith.constant 16 : i32
        %parallel_loop3A_142 = arith.muli %parallel_loop3A_140, %parallel_loop3A_141 : i32
        %parallel_loop3A_143 = arith.index_cast %parallel_loop3A_142 : i32 to index
        %parallel_loop3A_144 = tpu.vector_load %arg15[%parallel_loop3A_143] {strides = array<i32>} : memref<3200xi32, #tpu.memory_space<vmem>>, vector<16xi32>,
        %parallel_loop3A_145 = tpu.vector_load_idx %arg5[%parallel_loop3A_144] : memref<1024xf32, #tpu.memory_space<vmem>>[vector<16xi32>], vector<16xf32>,
        %parallel_loop3A_146 = tpu.vector_load_idx %arg6[%parallel_loop3A_144] : memref<1024xf32, #tpu.memory_space<vmem>>[vector<16xi32>], vector<16xf32>,
        %parallel_loop3A_147 = tpu.vector_load_idx %arg7[%parallel_loop3A_144] : memref<1024xf32, #tpu.memory_space<vmem>>[vector<16xi32>], vector<16xf32>,
        %parallel_loop3A_148 = tpu.vector_load_idx %arg8[%parallel_loop3A_144] : memref<1024xf32, #tpu.memory_space<vmem>>[vector<16xi32>], vector<16xf32>,
        %parallel_loop3A_149 = tpu.vector_load_idx %arg9[%parallel_loop3A_144] : memref<1024xf32, #tpu.memory_space<vmem>>[vector<16xi32>], vector<16xf32>,
        %parallel_loop3A_150 = tpu.vector_load_idx %arg10[%parallel_loop3A_144] : memref<1024xf32, #tpu.memory_space<vmem>>[vector<16xi32>], vector<16xf32>,
        %parallel_loop3A_151 = tpu.vector_load_idx %arg11[%parallel_loop3A_144] : memref<1024xf32, #tpu.memory_space<vmem>>[vector<16xi32>], vector<16xf32>,
        %parallel_loop3A_152 = tpu.vector_load_idx %arg12[%parallel_loop3A_144] : memref<1024xf32, #tpu.memory_space<vmem>>[vector<16xi32>], vector<16xf32>,
        %parallel_loop3A_153 = arith.constant 0 : i32
        %parallel_loop3A_154 = arith.index_cast %parallel_loop3A_153 : i32 to index
        %parallel_loop3A_155 = arith.index_cast %parallel_loop3A_142 : i32 to index
        %parallel_loop3A_156 = tpu.vector_load %arg13[%parallel_loop3A_154, %parallel_loop3A_155] {strides = array<i32>} : memref<8x3200xf32, #tpu.memory_space<vmem>>, vector<16xf32>,
        tpu.vector_store %arg13[%parallel_loop3A_154, %parallel_loop3A_155], %parallel_loop3A_145 {strides = array<i32>} : memref<8x3200xf32, #tpu.memory_space<vmem>>, vector<16xf32>,
        %parallel_loop3A_157 = arith.constant 1 : i32
        %parallel_loop3A_158 = arith.index_cast %parallel_loop3A_157 : i32 to index
        %parallel_loop3A_159 = arith.index_cast %parallel_loop3A_142 : i32 to index
        %parallel_loop3A_160 = tpu.vector_load %arg13[%parallel_loop3A_158, %parallel_loop3A_159] {strides = array<i32>} : memref<8x3200xf32, #tpu.memory_space<vmem>>, vector<16xf32>,
        tpu.vector_store %arg13[%parallel_loop3A_158, %parallel_loop3A_159], %parallel_loop3A_146 {strides = array<i32>} : memref<8x3200xf32, #tpu.memory_space<vmem>>, vector<16xf32>,
        %parallel_loop3A_161 = arith.constant 2 : i32
        %parallel_loop3A_162 = arith.index_cast %parallel_loop3A_161 : i32 to index
        %parallel_loop3A_163 = arith.index_cast %parallel_loop3A_142 : i32 to index
        %parallel_loop3A_164 = tpu.vector_load %arg13[%parallel_loop3A_162, %parallel_loop3A_163] {strides = array<i32>} : memref<8x3200xf32, #tpu.memory_space<vmem>>, vector<16xf32>,
        tpu.vector_store %arg13[%parallel_loop3A_162, %parallel_loop3A_163], %parallel_loop3A_147 {strides = array<i32>} : memref<8x3200xf32, #tpu.memory_space<vmem>>, vector<16xf32>,
        %parallel_loop3A_165 = arith.constant 3 : i32
        %parallel_loop3A_166 = arith.index_cast %parallel_loop3A_165 : i32 to index
        %parallel_loop3A_167 = arith.index_cast %parallel_loop3A_142 : i32 to index
        %parallel_loop3A_168 = tpu.vector_load %arg13[%parallel_loop3A_166, %parallel_loop3A_167] {strides = array<i32>} : memref<8x3200xf32, #tpu.memory_space<vmem>>, vector<16xf32>,
        tpu.vector_store %arg13[%parallel_loop3A_166, %parallel_loop3A_167], %parallel_loop3A_148 {strides = array<i32>} : memref<8x3200xf32, #tpu.memory_space<vmem>>, vector<16xf32>,
        %parallel_loop3A_169 = arith.constant 4 : i32
        %parallel_loop3A_170 = arith.index_cast %parallel_loop3A_169 : i32 to index
        %parallel_loop3A_171 = arith.index_cast %parallel_loop3A_142 : i32 to index
        %parallel_loop3A_172 = tpu.vector_load %arg13[%parallel_loop3A_170, %parallel_loop3A_171] {strides = array<i32>} : memref<8x3200xf32, #tpu.memory_space<vmem>>, vector<16xf32>,
        tpu.vector_store %arg13[%parallel_loop3A_170, %parallel_loop3A_171], %parallel_loop3A_149 {strides = array<i32>} : memref<8x3200xf32, #tpu.memory_space<vmem>>, vector<16xf32>,
        %parallel_loop3A_173 = arith.constant 5 : i32
        %parallel_loop3A_174 = arith.index_cast %parallel_loop3A_173 : i32 to index
        %parallel_loop3A_175 = arith.index_cast %parallel_loop3A_142 : i32 to index
        %parallel_loop3A_176 = tpu.vector_load %arg13[%parallel_loop3A_174, %parallel_loop3A_175] {strides = array<i32>} : memref<8x3200xf32, #tpu.memory_space<vmem>>, vector<16xf32>,
        tpu.vector_store %arg13[%parallel_loop3A_174, %parallel_loop3A_175], %parallel_loop3A_150 {strides = array<i32>} : memref<8x3200xf32, #tpu.memory_space<vmem>>, vector<16xf32>,
        %parallel_loop3A_177 = arith.constant 6 : i32
        %parallel_loop3A_178 = arith.index_cast %parallel_loop3A_177 : i32 to index
        %parallel_loop3A_179 = arith.index_cast %parallel_loop3A_142 : i32 to index
        %parallel_loop3A_180 = tpu.vector_load %arg13[%parallel_loop3A_178, %parallel_loop3A_179] {strides = array<i32>} : memref<8x3200xf32, #tpu.memory_space<vmem>>, vector<16xf32>,
        tpu.vector_store %arg13[%parallel_loop3A_178, %parallel_loop3A_179], %parallel_loop3A_151 {strides = array<i32>} : memref<8x3200xf32, #tpu.memory_space<vmem>>, vector<16xf32>,
        %parallel_loop3A_181 = arith.constant 7 : i32
        %parallel_loop3A_182 = arith.index_cast %parallel_loop3A_181 : i32 to index
        %parallel_loop3A_183 = arith.index_cast %parallel_loop3A_142 : i32 to index
        %parallel_loop3A_184 = tpu.vector_load %arg13[%parallel_loop3A_182, %parallel_loop3A_183] {strides = array<i32>} : memref<8x3200xf32, #tpu.memory_space<vmem>>, vector<16xf32>,
        tpu.vector_store %arg13[%parallel_loop3A_182, %parallel_loop3A_183], %parallel_loop3A_152 {strides = array<i32>} : memref<8x3200xf32, #tpu.memory_space<vmem>>, vector<16xf32>,
      } {sc.loop_unroll_factor = 8 : i64, sc.parallel_access}
      %dma_start3A_99 = tpu.memref_slice %arg4[%mul3A_2, %mul3A_92] : memref<256x160000xf32, #tpu.memory_space<hbm>> -> memref<8x3200xf32, #tpu.memory_space<hbm>>
      %dma_start3A_100 = tpu.memref_slice %arg4[%mul3A_2, %mul3A_92] : memref<256x160000xf32, #tpu.memory_space<hbm>> -> memref<8x3200xf32, #tpu.memory_space<hbm>>
      tpu.enqueue_dma source(%arg13 : memref<8x3200xf32, #tpu.memory_space<vmem>>) target(%dma_start3A_100 : memref<8x3200xf32, #tpu.memory_space<hbm>>) target_semaphore(%arg20 : memref<!tpu.dma_semaphore, #tpu.memory_space<semaphore_mem>>)
      %mul3A_101 = arith.constant 2 : i32
      %mul3A_102 = arith.muli %mul3A_101, %scan3A_86 : i32
      %add3A_103 = arith.constant 0 : i32
      %add3A_104 = arith.addi %mul3A_102, %add3A_103 : i32
      %add3A_105 = arith.constant 2 : i32
      %add3A_106 = arith.addi %add3A_104, %add3A_105 : i32
      %lt3A = arith.constant 50 : i32
      %lt3A_107 = arith.cmpi slt, %add3A_106, %lt3A : i32
      %convert_element_type3A_108 = arith.extui %lt3A_107 : i1 to i32
      %cond3A_109 = arith.constant 0 : i32
      %cond3A_110 = arith.cmpi ne, %convert_element_type3A_108, %cond3A_109 : i32
      scf.if %cond3A_110 {
        %add3A_140 = arith.constant 6400 : i32
        %add3A_141 = arith.addi %mul3A_92, %add3A_140 : i32
        %dma_start3A_142 = tpu.memref_slice %arg3[%add3A_141] : memref<160000xi32, #tpu.memory_space<hbm>> -> memref<3200xi32, #tpu.memory_space<hbm>>
        %dma_start3A_143 = tpu.memref_slice %arg3[%add3A_141] : memref<160000xi32, #tpu.memory_space<hbm>> -> memref<3200xi32, #tpu.memory_space<hbm>>
        tpu.enqueue_dma source(%dma_start3A_143 : memref<3200xi32, #tpu.memory_space<hbm>>) target(%arg15 : memref<3200xi32, #tpu.memory_space<vmem>>) target_semaphore(%arg18 : memref<!tpu.dma_semaphore, #tpu.memory_space<semaphore_mem>>)
      } else {
      }
      %mul3A_111 = arith.constant 2 : i32
      %mul3A_112 = arith.muli %mul3A_111, %scan3A_86 : i32
      %add3A_113 = arith.constant 1 : i32
      %add3A_114 = arith.addi %mul3A_112, %add3A_113 : i32
      %mul3A_115 = arith.constant 3200 : i32
      %mul3A_116 = arith.muli %add3A_114, %mul3A_115 : i32
      %dma_wait3A_117 = tpu.memref_slice %arg3[%mul3A_116] : memref<160000xi32, #tpu.memory_space<hbm>> -> memref<3200xi32, #tpu.memory_space<hbm>>
      %dma_wait3A_118 = tpu.memref_slice %arg3[%mul3A_116] : memref<160000xi32, #tpu.memory_space<hbm>> -> memref<3200xi32, #tpu.memory_space<hbm>>
      tpu.wait_dma2 semaphore(%arg19 : memref<!tpu.dma_semaphore, #tpu.memory_space<semaphore_mem>>) src(%dma_wait3A_118 : memref<3200xi32, #tpu.memory_space<hbm>>) dst(%arg16 : memref<3200xi32, #tpu.memory_space<vmem>>)
      %gt3A_119 = arith.constant 0 : i32
      %gt3A_120 = arith.cmpi sgt, %scan3A_86, %gt3A_119 : i32
      %convert_element_type3A_121 = arith.extui %gt3A_120 : i1 to i32
      %cond3A_122 = arith.constant 0 : i32
      %cond3A_123 = arith.cmpi ne, %convert_element_type3A_121, %cond3A_122 : i32
      scf.if %cond3A_123 {
        %sub3A = arith.constant 6400 : i32
        %sub3A_140 = arith.subi %mul3A_116, %sub3A : i32
        %dma_wait3A_141 = tpu.memref_slice %arg4[%mul3A_2, %sub3A_140] : memref<256x160000xf32, #tpu.memory_space<hbm>> -> memref<8x3200xf32, #tpu.memory_space<hbm>>
        %dma_wait3A_142 = tpu.memref_slice %arg4[%mul3A_2, %sub3A_140] : memref<256x160000xf32, #tpu.memory_space<hbm>> -> memref<8x3200xf32, #tpu.memory_space<hbm>>
        tpu.wait_dma2 semaphore(%arg21 : memref<!tpu.dma_semaphore, #tpu.memory_space<semaphore_mem>>) src(%arg14 : memref<8x3200xf32, #tpu.memory_space<vmem>>) dst(%dma_wait3A_142 : memref<8x3200xf32, #tpu.memory_space<hbm>>)
      } else {
      }
      %parallel_loop3A_124 = arith.constant 0 : i32
      %parallel_loop3A_125 = arith.constant 200 : i32
      %parallel_loop3A_126 = arith.constant 1 : i32
      scf.for %parallel_loop3A_140 = %parallel_loop3A_124 to %parallel_loop3A_125 step %parallel_loop3A_126  : i32 {
        %parallel_loop3A_141 = arith.constant 16 : i32
        %parallel_loop3A_142 = arith.muli %parallel_loop3A_140, %parallel_loop3A_141 : i32
        %parallel_loop3A_143 = arith.index_cast %parallel_loop3A_142 : i32 to index
        %parallel_loop3A_144 = tpu.vector_load %arg16[%parallel_loop3A_143] {strides = array<i32>} : memref<3200xi32, #tpu.memory_space<vmem>>, vector<16xi32>,
        %parallel_loop3A_145 = tpu.vector_load_idx %arg5[%parallel_loop3A_144] : memref<1024xf32, #tpu.memory_space<vmem>>[vector<16xi32>], vector<16xf32>,
        %parallel_loop3A_146 = tpu.vector_load_idx %arg6[%parallel_loop3A_144] : memref<1024xf32, #tpu.memory_space<vmem>>[vector<16xi32>], vector<16xf32>,
        %parallel_loop3A_147 = tpu.vector_load_idx %arg7[%parallel_loop3A_144] : memref<1024xf32, #tpu.memory_space<vmem>>[vector<16xi32>], vector<16xf32>,
        %parallel_loop3A_148 = tpu.vector_load_idx %arg8[%parallel_loop3A_144] : memref<1024xf32, #tpu.memory_space<vmem>>[vector<16xi32>], vector<16xf32>,
        %parallel_loop3A_149 = tpu.vector_load_idx %arg9[%parallel_loop3A_144] : memref<1024xf32, #tpu.memory_space<vmem>>[vector<16xi32>], vector<16xf32>,
        %parallel_loop3A_150 = tpu.vector_load_idx %arg10[%parallel_loop3A_144] : memref<1024xf32, #tpu.memory_space<vmem>>[vector<16xi32>], vector<16xf32>,
        %parallel_loop3A_151 = tpu.vector_load_idx %arg11[%parallel_loop3A_144] : memref<1024xf32, #tpu.memory_space<vmem>>[vector<16xi32>], vector<16xf32>,
        %parallel_loop3A_152 = tpu.vector_load_idx %arg12[%parallel_loop3A_144] : memref<1024xf32, #tpu.memory_space<vmem>>[vector<16xi32>], vector<16xf32>,
        %parallel_loop3A_153 = arith.constant 0 : i32
        %parallel_loop3A_154 = arith.index_cast %parallel_loop3A_153 : i32 to index
        %parallel_loop3A_155 = arith.index_cast %parallel_loop3A_142 : i32 to index
        %parallel_loop3A_156 = tpu.vector_load %arg14[%parallel_loop3A_154, %parallel_loop3A_155] {strides = array<i32>} : memref<8x3200xf32, #tpu.memory_space<vmem>>, vector<16xf32>,
        tpu.vector_store %arg14[%parallel_loop3A_154, %parallel_loop3A_155], %parallel_loop3A_145 {strides = array<i32>} : memref<8x3200xf32, #tpu.memory_space<vmem>>, vector<16xf32>,
        %parallel_loop3A_157 = arith.constant 1 : i32
        %parallel_loop3A_158 = arith.index_cast %parallel_loop3A_157 : i32 to index
        %parallel_loop3A_159 = arith.index_cast %parallel_loop3A_142 : i32 to index
        %parallel_loop3A_160 = tpu.vector_load %arg14[%parallel_loop3A_158, %parallel_loop3A_159] {strides = array<i32>} : memref<8x3200xf32, #tpu.memory_space<vmem>>, vector<16xf32>,
        tpu.vector_store %arg14[%parallel_loop3A_158, %parallel_loop3A_159], %parallel_loop3A_146 {strides = array<i32>} : memref<8x3200xf32, #tpu.memory_space<vmem>>, vector<16xf32>,
        %parallel_loop3A_161 = arith.constant 2 : i32
        %parallel_loop3A_162 = arith.index_cast %parallel_loop3A_161 : i32 to index
        %parallel_loop3A_163 = arith.index_cast %parallel_loop3A_142 : i32 to index
        %parallel_loop3A_164 = tpu.vector_load %arg14[%parallel_loop3A_162, %parallel_loop3A_163] {strides = array<i32>} : memref<8x3200xf32, #tpu.memory_space<vmem>>, vector<16xf32>,
        tpu.vector_store %arg14[%parallel_loop3A_162, %parallel_loop3A_163], %parallel_loop3A_147 {strides = array<i32>} : memref<8x3200xf32, #tpu.memory_space<vmem>>, vector<16xf32>,
        %parallel_loop3A_165 = arith.constant 3 : i32
        %parallel_loop3A_166 = arith.index_cast %parallel_loop3A_165 : i32 to index
        %parallel_loop3A_167 = arith.index_cast %parallel_loop3A_142 : i32 to index
        %parallel_loop3A_168 = tpu.vector_load %arg14[%parallel_loop3A_166, %parallel_loop3A_167] {strides = array<i32>} : memref<8x3200xf32, #tpu.memory_space<vmem>>, vector<16xf32>,
        tpu.vector_store %arg14[%parallel_loop3A_166, %parallel_loop3A_167], %parallel_loop3A_148 {strides = array<i32>} : memref<8x3200xf32, #tpu.memory_space<vmem>>, vector<16xf32>,
        %parallel_loop3A_169 = arith.constant 4 : i32
        %parallel_loop3A_170 = arith.index_cast %parallel_loop3A_169 : i32 to index
        %parallel_loop3A_171 = arith.index_cast %parallel_loop3A_142 : i32 to index
        %parallel_loop3A_172 = tpu.vector_load %arg14[%parallel_loop3A_170, %parallel_loop3A_171] {strides = array<i32>} : memref<8x3200xf32, #tpu.memory_space<vmem>>, vector<16xf32>,
        tpu.vector_store %arg14[%parallel_loop3A_170, %parallel_loop3A_171], %parallel_loop3A_149 {strides = array<i32>} : memref<8x3200xf32, #tpu.memory_space<vmem>>, vector<16xf32>,
        %parallel_loop3A_173 = arith.constant 5 : i32
        %parallel_loop3A_174 = arith.index_cast %parallel_loop3A_173 : i32 to index
        %parallel_loop3A_175 = arith.index_cast %parallel_loop3A_142 : i32 to index
        %parallel_loop3A_176 = tpu.vector_load %arg14[%parallel_loop3A_174, %parallel_loop3A_175] {strides = array<i32>} : memref<8x3200xf32, #tpu.memory_space<vmem>>, vector<16xf32>,
        tpu.vector_store %arg14[%parallel_loop3A_174, %parallel_loop3A_175], %parallel_loop3A_150 {strides = array<i32>} : memref<8x3200xf32, #tpu.memory_space<vmem>>, vector<16xf32>,
        %parallel_loop3A_177 = arith.constant 6 : i32
        %parallel_loop3A_178 = arith.index_cast %parallel_loop3A_177 : i32 to index
        %parallel_loop3A_179 = arith.index_cast %parallel_loop3A_142 : i32 to index
        %parallel_loop3A_180 = tpu.vector_load %arg14[%parallel_loop3A_178, %parallel_loop3A_179] {strides = array<i32>} : memref<8x3200xf32, #tpu.memory_space<vmem>>, vector<16xf32>,
        tpu.vector_store %arg14[%parallel_loop3A_178, %parallel_loop3A_179], %parallel_loop3A_151 {strides = array<i32>} : memref<8x3200xf32, #tpu.memory_space<vmem>>, vector<16xf32>,
        %parallel_loop3A_181 = arith.constant 7 : i32
        %parallel_loop3A_182 = arith.index_cast %parallel_loop3A_181 : i32 to index
        %parallel_loop3A_183 = arith.index_cast %parallel_loop3A_142 : i32 to index
        %parallel_loop3A_184 = tpu.vector_load %arg14[%parallel_loop3A_182, %parallel_loop3A_183] {strides = array<i32>} : memref<8x3200xf32, #tpu.memory_space<vmem>>, vector<16xf32>,
        tpu.vector_store %arg14[%parallel_loop3A_182, %parallel_loop3A_183], %parallel_loop3A_152 {strides = array<i32>} : memref<8x3200xf32, #tpu.memory_space<vmem>>, vector<16xf32>,
      } {sc.loop_unroll_factor = 8 : i64, sc.parallel_access}
      %dma_start3A_127 = tpu.memref_slice %arg4[%mul3A_2, %mul3A_116] : memref<256x160000xf32, #tpu.memory_space<hbm>> -> memref<8x3200xf32, #tpu.memory_space<hbm>>
      %dma_start3A_128 = tpu.memref_slice %arg4[%mul3A_2, %mul3A_116] : memref<256x160000xf32, #tpu.memory_space<hbm>> -> memref<8x3200xf32, #tpu.memory_space<hbm>>
      tpu.enqueue_dma source(%arg14 : memref<8x3200xf32, #tpu.memory_space<vmem>>) target(%dma_start3A_128 : memref<8x3200xf32, #tpu.memory_space<hbm>>) target_semaphore(%arg21 : memref<!tpu.dma_semaphore, #tpu.memory_space<semaphore_mem>>)
      %mul3A_129 = arith.constant 2 : i32
      %mul3A_130 = arith.muli %mul3A_129, %scan3A_86 : i32
      %add3A_131 = arith.constant 1 : i32
      %add3A_132 = arith.addi %mul3A_130, %add3A_131 : i32
      %add3A_133 = arith.constant 2 : i32
      %add3A_134 = arith.addi %add3A_132, %add3A_133 : i32
      %lt3A_135 = arith.constant 50 : i32
      %lt3A_136 = arith.cmpi slt, %add3A_134, %lt3A_135 : i32
      %convert_element_type3A_137 = arith.extui %lt3A_136 : i1 to i32
      %cond3A_138 = arith.constant 0 : i32
      %cond3A_139 = arith.cmpi ne, %convert_element_type3A_137, %cond3A_138 : i32
      scf.if %cond3A_139 {
        %add3A_140 = arith.constant 6400 : i32
        %add3A_141 = arith.addi %mul3A_116, %add3A_140 : i32
        %dma_start3A_142 = tpu.memref_slice %arg3[%add3A_141] : memref<160000xi32, #tpu.memory_space<hbm>> -> memref<3200xi32, #tpu.memory_space<hbm>>
        %dma_start3A_143 = tpu.memref_slice %arg3[%add3A_141] : memref<160000xi32, #tpu.memory_space<hbm>> -> memref<3200xi32, #tpu.memory_space<hbm>>
        tpu.enqueue_dma source(%dma_start3A_143 : memref<3200xi32, #tpu.memory_space<hbm>>) target(%arg16 : memref<3200xi32, #tpu.memory_space<vmem>>) target_semaphore(%arg19 : memref<!tpu.dma_semaphore, #tpu.memory_space<semaphore_mem>>)
      } else {
      }
    }
    %scan3A_77 = arith.constant 25 : i32
    %dma_wait3A_78 = arith.constant 153600 : i32
    %dma_wait3A_79 = tpu.memref_slice %arg4[%mul3A_2, %dma_wait3A_78] : memref<256x160000xf32, #tpu.memory_space<hbm>> -> memref<8x3200xf32, #tpu.memory_space<hbm>>
    %dma_wait3A_80 = arith.constant 153600 : i32
    %dma_wait3A_81 = tpu.memref_slice %arg4[%mul3A_2, %dma_wait3A_80] : memref<256x160000xf32, #tpu.memory_space<hbm>> -> memref<8x3200xf32, #tpu.memory_space<hbm>>
    tpu.wait_dma2 semaphore(%arg20 : memref<!tpu.dma_semaphore, #tpu.memory_space<semaphore_mem>>) src(%arg13 : memref<8x3200xf32, #tpu.memory_space<vmem>>) dst(%dma_wait3A_81 : memref<8x3200xf32, #tpu.memory_space<hbm>>)
    %dma_wait3A_82 = arith.constant 156800 : i32
    %dma_wait3A_83 = tpu.memref_slice %arg4[%mul3A_2, %dma_wait3A_82] : memref<256x160000xf32, #tpu.memory_space<hbm>> -> memref<8x3200xf32, #tpu.memory_space<hbm>>
    %dma_wait3A_84 = arith.constant 156800 : i32
    %dma_wait3A_85 = tpu.memref_slice %arg4[%mul3A_2, %dma_wait3A_84] : memref<256x160000xf32, #tpu.memory_space<hbm>> -> memref<8x3200xf32, #tpu.memory_space<hbm>>
    tpu.wait_dma2 semaphore(%arg21 : memref<!tpu.dma_semaphore, #tpu.memory_space<semaphore_mem>>) src(%arg14 : memref<8x3200xf32, #tpu.memory_space<vmem>>) dst(%dma_wait3A_85 : memref<8x3200xf32, #tpu.memory_space<hbm>>)
    return
  }
}

module attributes {stable_mosaic.version = 14 : i64} {
  func.func @_means_body(%arg0: i32, %arg1: memref<1x1x6400xi32, #tpu.memory_space<vmem>>, %arg2: memref<256x6400xf32, #tpu.memory_space<vmem>>, %arg3: memref<256x1024xf32, #tpu.memory_space<vmem>>, %arg4: memref<256x1024xf32, #tpu.memory_space<vmem>>, %arg5: memref<1x1024xf32, #tpu.memory_space<vmem>>) attributes {dimension_semantics = [#tpu.dimension_semantics<arbitrary>], iteration_bounds = array<i64: 25>, scalar_prefetch = 0 : i64, scratch_operands = 2 : i64, tpu.core_type = #tpu.core_type<tc>, window_params = [{transform_indices = @transform_0, window_bounds = array<i64: 1, 1, 6400>}, {transform_indices = @transform_1, window_bounds = array<i64: 256, 6400>}, {pipeline_mode = #tpu.pipeline_mode<synchronous>, transform_indices = @transform_2, window_bounds = array<i64: 256, 1024>}]} {
    %eq3A = arith.constant 0 : i32
    %eq3A_0 = arith.cmpi eq, %arg0, %eq3A : i32
    %convert_element_type3A = arith.extui %eq3A_0 : i1 to i32
    %cond3A = arith.constant 0 : i32
    %cond3A_1 = arith.cmpi ne, %convert_element_type3A, %cond3A : i32
    scf.if %cond3A_1 {
      %broadcast_in_dim3A = arith.constant 0.000000e+00 : f32
      %broadcast_in_dim3A_49 = vector.broadcast %broadcast_in_dim3A : f32 to vector<256x1024xf32>
      %swap3A = arith.constant 0 : index
      %swap3A_50 = arith.constant 0 : index
      %swap3A_51 = vector.load %arg4[%swap3A, %swap3A_50] : memref<256x1024xf32, #tpu.memory_space<vmem>>, vector<256x1024xf32>
      tpu.vector_store %arg4[%swap3A, %swap3A_50], %broadcast_in_dim3A_49 {strides = array<i32>} : memref<256x1024xf32, #tpu.memory_space<vmem>>, vector<256x1024xf32>,
      %broadcast_in_dim3A_52 = arith.constant 0.000000e+00 : f32
      %broadcast_in_dim3A_53 = vector.broadcast %broadcast_in_dim3A_52 : f32 to vector<1x1024xf32>
      %swap3A_54 = arith.constant 0 : index
      %swap3A_55 = arith.constant 0 : index
      %swap3A_56 = vector.load %arg5[%swap3A_54, %swap3A_55] : memref<1x1024xf32, #tpu.memory_space<vmem>>, vector<1x1024xf32>
      tpu.vector_store %arg5[%swap3A_54, %swap3A_55], %broadcast_in_dim3A_53 {strides = array<i32>} : memref<1x1024xf32, #tpu.memory_space<vmem>>, vector<1x1024xf32>,
    } else {
    }
    %get3A = arith.constant 0 : index
    %get3A_2 = arith.constant 0 : index
    %get3A_3 = arith.constant 0 : index
    %get3A_4 = vector.load %arg1[%get3A, %get3A_2, %get3A_3] : memref<1x1x6400xi32, #tpu.memory_space<vmem>>, vector<1x1x6400xi32>
    %get3A_5 = vector.shape_cast %get3A_4 : vector<1x1x6400xi32> to vector<6400xi32>
    %get3A_6 = arith.constant 0 : index
    %get3A_7 = arith.constant 0 : index
    %get3A_8 = vector.load %arg2[%get3A_6, %get3A_7] : memref<256x6400xf32, #tpu.memory_space<vmem>>, vector<256x6400xf32>
    %reduce_min3A = vector.shape_cast %get3A_5 : vector<6400xi32> to vector<1x6400xi32>
    %reduce_min3A_9 = arith.constant dense<2147483647> : vector<1xi32>
    %reduce_min3A_10 = vector.multi_reduction <minsi>, %reduce_min3A, %reduce_min3A_9 [1] : vector<1x6400xi32> to vector<1xi32>
    %reduce_min3A_11 = vector.shape_cast %reduce_min3A_10 : vector<1xi32> to vector<1x1xi32>
    %reduce_min3A_12 = vector.extract %reduce_min3A_11[0, 0] : i32 from vector<1x1xi32>
    %reduce_max3A = vector.shape_cast %get3A_5 : vector<6400xi32> to vector<1x6400xi32>
    %reduce_max3A_13 = arith.constant dense<-2147483648> : vector<1xi32>
    %reduce_max3A_14 = vector.multi_reduction <maxsi>, %reduce_max3A, %reduce_max3A_13 [1] : vector<1x6400xi32> to vector<1xi32>
    %reduce_max3A_15 = vector.shape_cast %reduce_max3A_14 : vector<1xi32> to vector<1x1xi32>
    %reduce_max3A_16 = vector.extract %reduce_max3A_15[0, 0] : i32 from vector<1x1xi32>
    %jit3A = arith.constant 128 : i32
    %div3A = arith.divsi %reduce_min3A_12, %jit3A : i32
    %sign3A = arith.constant 0 : i32
    %sign3A_17 = arith.cmpi sgt, %reduce_min3A_12, %sign3A : i32
    %sign3A_18 = arith.extui %sign3A_17 : i1 to i32
    %sign3A_19 = arith.constant 0 : i32
    %sign3A_20 = arith.cmpi slt, %reduce_min3A_12, %sign3A_19 : i32
    %sign3A_21 = arith.extui %sign3A_20 : i1 to i32
    %sign3A_22 = arith.subi %sign3A_18, %sign3A_21 : i32
    %sign3A_23 = arith.constant 0 : i32
    %sign3A_24 = arith.cmpi sgt, %jit3A, %sign3A_23 : i32
    %sign3A_25 = arith.extui %sign3A_24 : i1 to i32
    %sign3A_26 = arith.constant 0 : i32
    %sign3A_27 = arith.cmpi slt, %jit3A, %sign3A_26 : i32
    %sign3A_28 = arith.extui %sign3A_27 : i1 to i32
    %sign3A_29 = arith.subi %sign3A_25, %sign3A_28 : i32
    %ne3A = arith.cmpi ne, %sign3A_22, %sign3A_29 : i32
    %rem3A = arith.remsi %reduce_min3A_12, %jit3A : i32
    %ne3A_30 = arith.constant 0 : i32
    %ne3A_31 = arith.cmpi ne, %rem3A, %ne3A_30 : i32
    %and3A = arith.andi %ne3A, %ne3A_31 : i1
    %sub3A = arith.constant 1 : i32
    %sub3A_32 = arith.subi %div3A, %sub3A : i32
    %select_n3A = arith.select %and3A, %sub3A_32, %div3A : i32
    %mul3A = arith.constant 128 : i32
    %mul3A_33 = arith.muli %select_n3A, %mul3A : i32
    %min3A = arith.constant 768 : i32
    %min3A_34 = arith.minsi %mul3A_33, %min3A : i32
    %multiple_of3A = tpu.assume_multiple %min3A_34, 128 : i32
    %sub3A_35 = arith.subi %reduce_max3A_16, %multiple_of3A : i32
    %lt3A = arith.constant 256 : i32
    %lt3A_36 = arith.cmpi slt, %sub3A_35, %lt3A : i32
    %convert_element_type3A_37 = arith.extui %lt3A_36 : i1 to i32
    %cond3A_38 = arith.constant 0 : i32
    %cond3A_39 = arith.cmpi ne, %convert_element_type3A_37, %cond3A_38 : i32
    scf.if %cond3A_39 {
      %sub3A_49 = vector.broadcast %multiple_of3A : i32 to vector<6400xi32>
      %sub3A_50 = arith.subi %get3A_5, %sub3A_49 : vector<6400xi32>
      %broadcast_in_dim3A = vector.shape_cast %sub3A_50 : vector<6400xi32> to vector<6400x1xi32>
      %iota3A = tpu.iota {dimensions = array<i32: 1>} : vector<6400x256xi32>
      %eq3A_51 = vector.broadcast %broadcast_in_dim3A : vector<6400x1xi32> to vector<6400x256xi32>
      %eq3A_52 = arith.cmpi eq, %eq3A_51, %iota3A : vector<6400x256xi32>
      %convert_element_type3A_53 = arith.extui %eq3A_52 : vector<6400x256xi1> to vector<6400x256xi32>
      %convert_element_type3A_54 = arith.sitofp %convert_element_type3A_53 : vector<6400x256xi32> to vector<6400x256xf32>
      %get3A_55 = arith.constant 0 : index
      %get3A_56 = arith.index_cast %multiple_of3A : i32 to index
      %get3A_57 = vector.load %arg4[%get3A_55, %get3A_56] : memref<256x1024xf32, #tpu.memory_space<vmem>>, vector<256x256xf32>
      %dot_general3A = arith.constant dense<0.000000e+00> : vector<256x256xf32>
      %dot_general3A_58 = tpu.matmul %get3A_8, %convert_element_type3A_54, %dot_general3A {dimension_numbers = #tpu.dot_dimension_numbers<[1], [0], [0], [1], [0, 0, 1, 1], [], []>, transpose_lhs_hint = false} : vector<256x6400xf32>, vector<6400x256xf32>, vector<256x256xf32> -> vector<256x256xf32>
      %add3A = arith.addf %get3A_57, %dot_general3A_58 : vector<256x256xf32>
      %swap3A = arith.constant 0 : index
      %swap3A_59 = arith.index_cast %multiple_of3A : i32 to index
      %swap3A_60 = vector.load %arg4[%swap3A, %swap3A_59] : memref<256x1024xf32, #tpu.memory_space<vmem>>, vector<256x256xf32>
      tpu.vector_store %arg4[%swap3A, %swap3A_59], %add3A {strides = array<i32>} : memref<256x1024xf32, #tpu.memory_space<vmem>>, vector<256x256xf32>,
      %get3A_61 = arith.constant 0 : index
      %get3A_62 = arith.index_cast %multiple_of3A : i32 to index
      %get3A_63 = vector.load %arg5[%get3A_61, %get3A_62] : memref<1x1024xf32, #tpu.memory_space<vmem>>, vector<1x256xf32>
      %reduce_sum3A = arith.constant dense<0.000000e+00> : vector<256xf32>
      %reduce_sum3A_64 = vector.multi_reduction <add>, %convert_element_type3A_54, %reduce_sum3A [0] : vector<6400x256xf32> to vector<256xf32>
      %broadcast_in_dim3A_65 = vector.shape_cast %reduce_sum3A_64 : vector<256xf32> to vector<1x256xf32>
      %add3A_66 = arith.addf %get3A_63, %broadcast_in_dim3A_65 : vector<1x256xf32>
      %swap3A_67 = arith.constant 0 : index
      %swap3A_68 = arith.index_cast %multiple_of3A : i32 to index
      %swap3A_69 = vector.load %arg5[%swap3A_67, %swap3A_68] : memref<1x1024xf32, #tpu.memory_space<vmem>>, vector<1x256xf32>
      tpu.vector_store %arg5[%swap3A_67, %swap3A_68], %add3A_66 {strides = array<i32>} : memref<1x1024xf32, #tpu.memory_space<vmem>>, vector<1x256xf32>,
    } else {
    }
    %not3A = arith.constant true
    %not3A_40 = arith.xori %lt3A_36, %not3A : i1
    %convert_element_type3A_41 = arith.extui %not3A_40 : i1 to i32
    %cond3A_42 = arith.constant 0 : i32
    %cond3A_43 = arith.cmpi ne, %convert_element_type3A_41, %cond3A_42 : i32
    scf.if %cond3A_43 {
      %broadcast_in_dim3A = vector.shape_cast %get3A_5 : vector<6400xi32> to vector<6400x1xi32>
      %sub3A_49 = arith.constant 0 : i32
      %sub3A_50 = vector.broadcast %sub3A_49 : i32 to vector<6400x1xi32>
      %sub3A_51 = arith.subi %broadcast_in_dim3A, %sub3A_50 : vector<6400x1xi32>
      %iota3A = tpu.iota {dimensions = array<i32: 1>} : vector<6400x256xi32>
      %eq3A_52 = vector.broadcast %sub3A_51 : vector<6400x1xi32> to vector<6400x256xi32>
      %eq3A_53 = arith.cmpi eq, %eq3A_52, %iota3A : vector<6400x256xi32>
      %convert_element_type3A_54 = arith.extui %eq3A_53 : vector<6400x256xi1> to vector<6400x256xi32>
      %convert_element_type3A_55 = arith.sitofp %convert_element_type3A_54 : vector<6400x256xi32> to vector<6400x256xf32>
      %get3A_56 = arith.constant 0 : index
      %get3A_57 = arith.constant 0 : index
      %get3A_58 = vector.load %arg4[%get3A_56, %get3A_57] : memref<256x1024xf32, #tpu.memory_space<vmem>>, vector<256x256xf32>
      %dot_general3A = arith.constant dense<0.000000e+00> : vector<256x256xf32>
      %dot_general3A_59 = tpu.matmul %get3A_8, %convert_element_type3A_55, %dot_general3A {dimension_numbers = #tpu.dot_dimension_numbers<[1], [0], [0], [1], [0, 0, 1, 1], [], []>, transpose_lhs_hint = false} : vector<256x6400xf32>, vector<6400x256xf32>, vector<256x256xf32> -> vector<256x256xf32>
      %add3A = arith.addf %get3A_58, %dot_general3A_59 : vector<256x256xf32>
      %swap3A = arith.constant 0 : index
      %swap3A_60 = arith.constant 0 : index
      %swap3A_61 = vector.load %arg4[%swap3A, %swap3A_60] : memref<256x1024xf32, #tpu.memory_space<vmem>>, vector<256x256xf32>
      tpu.vector_store %arg4[%swap3A, %swap3A_60], %add3A {strides = array<i32>} : memref<256x1024xf32, #tpu.memory_space<vmem>>, vector<256x256xf32>,
      %get3A_62 = arith.constant 0 : index
      %get3A_63 = arith.constant 0 : index
      %get3A_64 = vector.load %arg5[%get3A_62, %get3A_63] : memref<1x1024xf32, #tpu.memory_space<vmem>>, vector<1x256xf32>
      %reduce_sum3A = arith.constant dense<0.000000e+00> : vector<256xf32>
      %reduce_sum3A_65 = vector.multi_reduction <add>, %convert_element_type3A_55, %reduce_sum3A [0] : vector<6400x256xf32> to vector<256xf32>
      %broadcast_in_dim3A_66 = vector.shape_cast %reduce_sum3A_65 : vector<256xf32> to vector<1x256xf32>
      %add3A_67 = arith.addf %get3A_64, %broadcast_in_dim3A_66 : vector<1x256xf32>
      %swap3A_68 = arith.constant 0 : index
      %swap3A_69 = arith.constant 0 : index
      %swap3A_70 = vector.load %arg5[%swap3A_68, %swap3A_69] : memref<1x1024xf32, #tpu.memory_space<vmem>>, vector<1x256xf32>
      tpu.vector_store %arg5[%swap3A_68, %swap3A_69], %add3A_67 {strides = array<i32>} : memref<1x1024xf32, #tpu.memory_space<vmem>>, vector<1x256xf32>,
      %broadcast_in_dim3A_71 = vector.shape_cast %get3A_5 : vector<6400xi32> to vector<6400x1xi32>
      %sub3A_72 = arith.constant 256 : i32
      %sub3A_73 = vector.broadcast %sub3A_72 : i32 to vector<6400x1xi32>
      %sub3A_74 = arith.subi %broadcast_in_dim3A_71, %sub3A_73 : vector<6400x1xi32>
      %iota3A_75 = tpu.iota {dimensions = array<i32: 1>} : vector<6400x256xi32>
      %eq3A_76 = vector.broadcast %sub3A_74 : vector<6400x1xi32> to vector<6400x256xi32>
      %eq3A_77 = arith.cmpi eq, %eq3A_76, %iota3A_75 : vector<6400x256xi32>
      %convert_element_type3A_78 = arith.extui %eq3A_77 : vector<6400x256xi1> to vector<6400x256xi32>
      %convert_element_type3A_79 = arith.sitofp %convert_element_type3A_78 : vector<6400x256xi32> to vector<6400x256xf32>
      %get3A_80 = arith.constant 0 : index
      %get3A_81 = arith.constant 256 : index
      %get3A_82 = vector.load %arg4[%get3A_80, %get3A_81] : memref<256x1024xf32, #tpu.memory_space<vmem>>, vector<256x256xf32>
      %dot_general3A_83 = arith.constant dense<0.000000e+00> : vector<256x256xf32>
      %dot_general3A_84 = tpu.matmul %get3A_8, %convert_element_type3A_79, %dot_general3A_83 {dimension_numbers = #tpu.dot_dimension_numbers<[1], [0], [0], [1], [0, 0, 1, 1], [], []>, transpose_lhs_hint = false} : vector<256x6400xf32>, vector<6400x256xf32>, vector<256x256xf32> -> vector<256x256xf32>
      %add3A_85 = arith.addf %get3A_82, %dot_general3A_84 : vector<256x256xf32>
      %swap3A_86 = arith.constant 0 : index
      %swap3A_87 = arith.constant 256 : index
      %swap3A_88 = vector.load %arg4[%swap3A_86, %swap3A_87] : memref<256x1024xf32, #tpu.memory_space<vmem>>, vector<256x256xf32>
      tpu.vector_store %arg4[%swap3A_86, %swap3A_87], %add3A_85 {strides = array<i32>} : memref<256x1024xf32, #tpu.memory_space<vmem>>, vector<256x256xf32>,
      %get3A_89 = arith.constant 0 : index
      %get3A_90 = arith.constant 256 : index
      %get3A_91 = vector.load %arg5[%get3A_89, %get3A_90] : memref<1x1024xf32, #tpu.memory_space<vmem>>, vector<1x256xf32>
      %reduce_sum3A_92 = arith.constant dense<0.000000e+00> : vector<256xf32>
      %reduce_sum3A_93 = vector.multi_reduction <add>, %convert_element_type3A_79, %reduce_sum3A_92 [0] : vector<6400x256xf32> to vector<256xf32>
      %broadcast_in_dim3A_94 = vector.shape_cast %reduce_sum3A_93 : vector<256xf32> to vector<1x256xf32>
      %add3A_95 = arith.addf %get3A_91, %broadcast_in_dim3A_94 : vector<1x256xf32>
      %swap3A_96 = arith.constant 0 : index
      %swap3A_97 = arith.constant 256 : index
      %swap3A_98 = vector.load %arg5[%swap3A_96, %swap3A_97] : memref<1x1024xf32, #tpu.memory_space<vmem>>, vector<1x256xf32>
      tpu.vector_store %arg5[%swap3A_96, %swap3A_97], %add3A_95 {strides = array<i32>} : memref<1x1024xf32, #tpu.memory_space<vmem>>, vector<1x256xf32>,
      %broadcast_in_dim3A_99 = vector.shape_cast %get3A_5 : vector<6400xi32> to vector<6400x1xi32>
      %sub3A_100 = arith.constant 512 : i32
      %sub3A_101 = vector.broadcast %sub3A_100 : i32 to vector<6400x1xi32>
      %sub3A_102 = arith.subi %broadcast_in_dim3A_99, %sub3A_101 : vector<6400x1xi32>
      %iota3A_103 = tpu.iota {dimensions = array<i32: 1>} : vector<6400x256xi32>
      %eq3A_104 = vector.broadcast %sub3A_102 : vector<6400x1xi32> to vector<6400x256xi32>
      %eq3A_105 = arith.cmpi eq, %eq3A_104, %iota3A_103 : vector<6400x256xi32>
      %convert_element_type3A_106 = arith.extui %eq3A_105 : vector<6400x256xi1> to vector<6400x256xi32>
      %convert_element_type3A_107 = arith.sitofp %convert_element_type3A_106 : vector<6400x256xi32> to vector<6400x256xf32>
      %get3A_108 = arith.constant 0 : index
      %get3A_109 = arith.constant 512 : index
      %get3A_110 = vector.load %arg4[%get3A_108, %get3A_109] : memref<256x1024xf32, #tpu.memory_space<vmem>>, vector<256x256xf32>
      %dot_general3A_111 = arith.constant dense<0.000000e+00> : vector<256x256xf32>
      %dot_general3A_112 = tpu.matmul %get3A_8, %convert_element_type3A_107, %dot_general3A_111 {dimension_numbers = #tpu.dot_dimension_numbers<[1], [0], [0], [1], [0, 0, 1, 1], [], []>, transpose_lhs_hint = false} : vector<256x6400xf32>, vector<6400x256xf32>, vector<256x256xf32> -> vector<256x256xf32>
      %add3A_113 = arith.addf %get3A_110, %dot_general3A_112 : vector<256x256xf32>
      %swap3A_114 = arith.constant 0 : index
      %swap3A_115 = arith.constant 512 : index
      %swap3A_116 = vector.load %arg4[%swap3A_114, %swap3A_115] : memref<256x1024xf32, #tpu.memory_space<vmem>>, vector<256x256xf32>
      tpu.vector_store %arg4[%swap3A_114, %swap3A_115], %add3A_113 {strides = array<i32>} : memref<256x1024xf32, #tpu.memory_space<vmem>>, vector<256x256xf32>,
      %get3A_117 = arith.constant 0 : index
      %get3A_118 = arith.constant 512 : index
      %get3A_119 = vector.load %arg5[%get3A_117, %get3A_118] : memref<1x1024xf32, #tpu.memory_space<vmem>>, vector<1x256xf32>
      %reduce_sum3A_120 = arith.constant dense<0.000000e+00> : vector<256xf32>
      %reduce_sum3A_121 = vector.multi_reduction <add>, %convert_element_type3A_107, %reduce_sum3A_120 [0] : vector<6400x256xf32> to vector<256xf32>
      %broadcast_in_dim3A_122 = vector.shape_cast %reduce_sum3A_121 : vector<256xf32> to vector<1x256xf32>
      %add3A_123 = arith.addf %get3A_119, %broadcast_in_dim3A_122 : vector<1x256xf32>
      %swap3A_124 = arith.constant 0 : index
      %swap3A_125 = arith.constant 512 : index
      %swap3A_126 = vector.load %arg5[%swap3A_124, %swap3A_125] : memref<1x1024xf32, #tpu.memory_space<vmem>>, vector<1x256xf32>
      tpu.vector_store %arg5[%swap3A_124, %swap3A_125], %add3A_123 {strides = array<i32>} : memref<1x1024xf32, #tpu.memory_space<vmem>>, vector<1x256xf32>,
      %broadcast_in_dim3A_127 = vector.shape_cast %get3A_5 : vector<6400xi32> to vector<6400x1xi32>
      %sub3A_128 = arith.constant 768 : i32
      %sub3A_129 = vector.broadcast %sub3A_128 : i32 to vector<6400x1xi32>
      %sub3A_130 = arith.subi %broadcast_in_dim3A_127, %sub3A_129 : vector<6400x1xi32>
      %iota3A_131 = tpu.iota {dimensions = array<i32: 1>} : vector<6400x256xi32>
      %eq3A_132 = vector.broadcast %sub3A_130 : vector<6400x1xi32> to vector<6400x256xi32>
      %eq3A_133 = arith.cmpi eq, %eq3A_132, %iota3A_131 : vector<6400x256xi32>
      %convert_element_type3A_134 = arith.extui %eq3A_133 : vector<6400x256xi1> to vector<6400x256xi32>
      %convert_element_type3A_135 = arith.sitofp %convert_element_type3A_134 : vector<6400x256xi32> to vector<6400x256xf32>
      %get3A_136 = arith.constant 0 : index
      %get3A_137 = arith.constant 768 : index
      %get3A_138 = vector.load %arg4[%get3A_136, %get3A_137] : memref<256x1024xf32, #tpu.memory_space<vmem>>, vector<256x256xf32>
      %dot_general3A_139 = arith.constant dense<0.000000e+00> : vector<256x256xf32>
      %dot_general3A_140 = tpu.matmul %get3A_8, %convert_element_type3A_135, %dot_general3A_139 {dimension_numbers = #tpu.dot_dimension_numbers<[1], [0], [0], [1], [0, 0, 1, 1], [], []>, transpose_lhs_hint = false} : vector<256x6400xf32>, vector<6400x256xf32>, vector<256x256xf32> -> vector<256x256xf32>
      %add3A_141 = arith.addf %get3A_138, %dot_general3A_140 : vector<256x256xf32>
      %swap3A_142 = arith.constant 0 : index
      %swap3A_143 = arith.constant 768 : index
      %swap3A_144 = vector.load %arg4[%swap3A_142, %swap3A_143] : memref<256x1024xf32, #tpu.memory_space<vmem>>, vector<256x256xf32>
      tpu.vector_store %arg4[%swap3A_142, %swap3A_143], %add3A_141 {strides = array<i32>} : memref<256x1024xf32, #tpu.memory_space<vmem>>, vector<256x256xf32>,
      %get3A_145 = arith.constant 0 : index
      %get3A_146 = arith.constant 768 : index
      %get3A_147 = vector.load %arg5[%get3A_145, %get3A_146] : memref<1x1024xf32, #tpu.memory_space<vmem>>, vector<1x256xf32>
      %reduce_sum3A_148 = arith.constant dense<0.000000e+00> : vector<256xf32>
      %reduce_sum3A_149 = vector.multi_reduction <add>, %convert_element_type3A_135, %reduce_sum3A_148 [0] : vector<6400x256xf32> to vector<256xf32>
      %broadcast_in_dim3A_150 = vector.shape_cast %reduce_sum3A_149 : vector<256xf32> to vector<1x256xf32>
      %add3A_151 = arith.addf %get3A_147, %broadcast_in_dim3A_150 : vector<1x256xf32>
      %swap3A_152 = arith.constant 0 : index
      %swap3A_153 = arith.constant 768 : index
      %swap3A_154 = vector.load %arg5[%swap3A_152, %swap3A_153] : memref<1x1024xf32, #tpu.memory_space<vmem>>, vector<1x256xf32>
      tpu.vector_store %arg5[%swap3A_152, %swap3A_153], %add3A_151 {strides = array<i32>} : memref<1x1024xf32, #tpu.memory_space<vmem>>, vector<1x256xf32>,
    } else {
    }
    %eq3A_44 = arith.constant 24 : i32
    %eq3A_45 = arith.cmpi eq, %arg0, %eq3A_44 : i32
    %convert_element_type3A_46 = arith.extui %eq3A_45 : i1 to i32
    %cond3A_47 = arith.constant 0 : i32
    %cond3A_48 = arith.cmpi ne, %convert_element_type3A_46, %cond3A_47 : i32
    scf.if %cond3A_48 {
      %get3A_49 = arith.constant 0 : index
      %get3A_50 = arith.constant 0 : index
      %get3A_51 = vector.load %arg4[%get3A_49, %get3A_50] : memref<256x1024xf32, #tpu.memory_space<vmem>>, vector<256x1024xf32>
      %get3A_52 = arith.constant 0 : index
      %get3A_53 = arith.constant 0 : index
      %get3A_54 = vector.load %arg5[%get3A_52, %get3A_53] : memref<1x1024xf32, #tpu.memory_space<vmem>>, vector<1x1024xf32>
      %max3A = arith.constant 1.000000e+00 : f32
      %max3A_55 = vector.broadcast %max3A : f32 to vector<1x1024xf32>
      %max3A_56 = arith.maximumf %get3A_54, %max3A_55 : vector<1x1024xf32>
      %div3A_57 = arith.constant 1.000000e+00 : f32
      %div3A_58 = vector.broadcast %div3A_57 : f32 to vector<1x1024xf32>
      %div3A_59 = arith.divf %div3A_58, %max3A_56 : vector<1x1024xf32>
      %mul3A_60 = vector.broadcast %div3A_59 : vector<1x1024xf32> to vector<256x1024xf32>
      %mul3A_61 = arith.mulf %get3A_51, %mul3A_60 : vector<256x1024xf32>
      %swap3A = arith.constant 0 : index
      %swap3A_62 = arith.constant 0 : index
      %swap3A_63 = vector.load %arg3[%swap3A, %swap3A_62] : memref<256x1024xf32, #tpu.memory_space<vmem>>, vector<256x1024xf32>
      tpu.vector_store %arg3[%swap3A, %swap3A_62], %mul3A_61 {strides = array<i32>} : memref<256x1024xf32, #tpu.memory_space<vmem>>, vector<256x1024xf32>,
    } else {
    }
    return
  }
  func.func @transform_0(%arg0: i32) -> (i32, i32, i32) {
    %c0_i32 = arith.constant 0 : i32
    %c0_i32_0 = arith.constant 0 : i32
    %c0_i32_1 = arith.constant 0 : i32
    return %arg0, %c0_i32, %c0_i32_0 : i32, i32, i32
  }
  func.func @transform_1(%arg0: i32) -> (i32, i32) {
    %c0_i32 = arith.constant 0 : i32
    %c0_i32_0 = arith.constant 0 : i32
    return %c0_i32, %arg0 : i32, i32
  }
  func.func @transform_2(%arg0: i32) -> (i32, i32) {
    %c0_i32 = arith.constant 0 : i32
    %c0_i32_0 = arith.constant 0 : i32
    %c0_i32_1 = arith.constant 0 : i32
    return %c0_i32, %c0_i32_0 : i32, i32
  }
}

</mosaic_0001>

<sc_bundles>
// kernel: _sp_norm.4.cloned.1.call-start
scs
__scs_entry_jumppad:
0x0: {  	(pc) =	sbr.rel $0x88, $3  }
0x1: {  	(tag) =	ssettag $0x0;
	lr =	simm.s32 $0x1  }
0x2: {  	[smem:$0x3F9F] =	sst lr;
	_ =	strace $0xD0000000  }
0x3: {  	_ = 	snop  }
0x4: {  	_ = 	snop  }
0x5: {  	_ = 	snop  }
0x6: {  	_ = 	snop  }
0x7: {  	_ = 	snop  }
__scs_overlays_trampoline_lowered:
0x8: {  	[smem:$0x3FAE] =	sst s0  }
0x9: {  	[smem:$0x3FAF] =	sst s1  }
0xa: {  	[smem:$0x3FB0] =	sst s2  }
0xb: {  	[smem:$0x3FB1] =	sst s3  }
0xc: {  	[smem:$0x3FB2] =	sst s4  }
0xd: {  	[smem:$0x3FB3] =	sst s5  }
0xe: {  	[smem:$0x3FB4] =	sst s6  }
0xf: {  	[smem:$0x3FB5] =	sst s7  }
0x10: {  	[smem:$0x3FB6] =	sst s8  }
0x11: {  	[smem:$0x3FB7] =	sst s9;
	s0 =	simm.s32 @!p0 $0x0  }
0x12: {  	s1 =	sld [smem:$0x3F9D];
	s0 =	simm.s32 @p0 $0x1  }
0x13: {  	[smem:$0x3FB8] =	sst s0;
	s0 =	simm.s32 @!p1 $0x0  }
0x14: {  	s2 =	sld [smem:$0x3F9C];
	s0 =	simm.s32 @p1 $0x1  }
0x15: {  	[smem:$0x3FB9] =	sst s0;
	s0 =	simm.s32 @!p2 $0x0  }
0x16: {  	s3 =	sld [smem:$0x3FDB];
	s0 =	simm.s32 @p2 $0x1  }
0x17: {  	s4 =	simm.s32 $0x1BF5;
	[smem:$0x3FBB] =	sst s0  }
0x18: {  	s0 =	sld [smem:$0x3F9E];
	_ =	swait.ge [sflag:s4], $0x0  }
0x19: {  	s7 =	sld [smem:$0x3F9F]  }
0x1a: {  	s8 =	sadd.s32 $0xFFFFE003, lr  }
0x1b: {  	s9 =	sadd.s32 $0xFFFFFEF7, lr;
	s5 =	simm.s32 $0xFFFFFFFF;
	p2 =	slt.u32 s8, $0xFFFFF086  }
0x1c: {  	p1 =	slt.u32 s9, $0xF7A;
	s5 =	simm.s32 @!p2 $0x0  }
0x1d: {  	s5 =	simm.s32 @p1 $0x1;
	p0 =	seq.s32 s7, s2  }
0x1e: {  	s7 =	smul.u32 @!p0 $0xF7A, s2;
	p2 =	seq.s32 @!p0 s5, $0x0  }
0x1f: {  	s9 =	smul.u32 $0xF7A, s1;
	s8 =	simm.s32 @!p0 $0x1BF5;
	p2 =	por !p2, p0  }
0x20: {  	[sflag:s8] =	ssyncset.s32 @!p0 $0xFFFFF086;
	s6 =	sadd.s32 @!p0 s3, s7;
	s7 =	simm.s32 @!p0 $0x108  }
0x21: {  	s3 =	sadd.s32 s3, s9;
	s6 =	sadd.s32 @!p0 $0x88, s6;
	s7 =	simm.s32 @p2 $0x1082  }
0x22: {  	[simem:s7], [sflag:s8] =	dma.local @!p0 [hbm:s6], $0xF7A  }
0x23: {  	s9 =	sor.u32 $0xD0000000, s2;
	s6 =	simm.s32 $0x108;
	_ =	swait.ge @!p0 [sflag:s8], $0x0  }
0x24: {  	s3 =	sadd.s32 $0x88, s3;
	s6 =	simm.s32 @!p1 $0x1082;
	[sflag:s4] =	ssyncset.s32 $0xFFFFF086  }
0x25: {  	[simem:s6], [sflag:s4] =	dma.local [hbm:s3], $0xF7A  }
0x26: {  	[smem:$0x3F9F] =	sst s1;
	(tag) =	ssettag s2;
	_ =	strace s9  }
0x27: {  	s1 =	sld [smem:$0x3FAF]  }
0x28: {  	s2 =	sld [smem:$0x3FB0]  }
0x29: {  	s4 =	sld [smem:$0x3FB2]  }
0x2a: {  	p0 =	seq.s32 s5, $0x0;
	s5 =	sld [smem:$0x3FB3]  }
0x2b: {  	s6 =	sld [smem:$0x3FB4]  }
0x2c: {  	s7 =	sld [smem:$0x3FB5]  }
0x2d: {  	s3 =	simm.s32 $0x108;
	s8 =	sld [smem:$0x3FB6]  }
0x2e: {  	s3 =	simm.s32 @!p0 $0x1082;
	s9 =	sld [smem:$0x3FB7]  }
0x2f: {  	lr =	sadd.s32 s0, s3;
	s0 =	sld [smem:$0x3FAE]  }
0x30: {  	s3 =	sld [smem:$0x3FB1]  }
0x31: {  	[smem:$0x3FBA] =	sst s10  }
0x32: {  	s10 =	sld [smem:$0x3FB8];
	_ =	sdelay $0x3  }
0x33: {  	p0 =	seq.s32 s10, $0x1;
	s10 =	sld [smem:$0x3FBA];
	_ =	sdelay $0x3  }
0x34: {  	[smem:$0x3FBA] =	sst s10  }
0x35: {  	s10 =	sld [smem:$0x3FB9];
	_ =	sdelay $0x3  }
0x36: {  	p1 =	seq.s32 s10, $0x1;
	s10 =	sld [smem:$0x3FBA];
	_ =	sdelay $0x3  }
0x37: {  	[smem:$0x3FBA] =	sst s10  }
0x38: {  	s10 =	sld [smem:$0x3FBB]  }
0x39: {  	_ = 	snop;
	(pc) =	sbr.ind lr, $3  }
0x3a: {  	_ = 	snop  }
0x3b: {  	_ = 	snop  }
0x3c: {  	p2 =	seq.s32 s10, $0x1;
	s10 =	sld [smem:$0x3FBA]  }
0x3d: {  	_ =	shalt  }
0x3e: {  	_ =	shalt  }
0x3f: {  	_ =	shalt  }
0x40: {  	_ =	shalt  }
0x41: {  	_ =	shalt  }
0x42: {  	_ =	shalt  }
0x43: {  	_ =	shalt  }
0x44: {  	_ =	shalt  }
0x45: {  	_ =	shalt  }
0x46: {  	_ =	shalt  }
0x47: {  	_ =	shalt  }
0x48: {  	_ =	shalt  }
0x49: {  	_ =	shalt  }
0x4a: {  	_ =	shalt  }
0x4b: {  	_ =	shalt  }
0x4c: {  	_ =	shalt  }
0x4d: {  	_ =	shalt  }
0x4e: {  	_ =	shalt  }
0x4f: {  	_ =	shalt  }
0x50: {  	_ =	shalt  }
0x51: {  	_ =	shalt  }
0x52: {  	_ =	shalt  }
0x53: {  	_ =	shalt  }
0x54: {  	_ =	shalt  }
0x55: {  	_ =	shalt  }
0x56: {  	_ =	shalt  }
0x57: {  	_ =	shalt  }
0x58: {  	_ =	shalt  }
0x59: {  	_ =	shalt  }
0x5a: {  	_ =	shalt  }
0x5b: {  	_ =	shalt  }
0x5c: {  	_ =	shalt  }
0x5d: {  	_ =	shalt  }
0x5e: {  	_ =	shalt  }
0x5f: {  	_ =	shalt  }
0x60: {  	_ =	shalt  }
0x61: {  	_ =	shalt  }
0x62: {  	_ =	shalt  }
0x63: {  	_ =	shalt  }
0x64: {  	_ =	shalt  }
0x65: {  	_ =	shalt  }
0x66: {  	_ =	shalt  }
0x67: {  	_ =	shalt  }
0x68: {  	_ =	shalt  }
0x69: {  	_ =	shalt  }
0x6a: {  	_ =	shalt  }
0x6b: {  	_ =	shalt  }
0x6c: {  	_ =	shalt  }
0x6d: {  	_ =	shalt  }
0x6e: {  	_ =	shalt  }
0x6f: {  	_ =	shalt  }
0x70: {  	_ =	shalt  }
0x71: {  	_ =	shalt  }
0x72: {  	_ =	shalt  }
0x73: {  	_ =	shalt  }
0x74: {  	_ =	shalt  }
0x75: {  	_ =	shalt  }
0x76: {  	_ =	shalt  }
0x77: {  	_ =	shalt  }
0x78: {  	_ =	shalt  }
0x79: {  	_ =	shalt  }
0x7a: {  	_ =	shalt  }
0x7b: {  	_ =	shalt  }
0x7c: {  	_ =	shalt  }
0x7d: {  	_ =	shalt  }
0x7e: {  	_ =	shalt  }
0x7f: {  	_ =	shalt  }
0x80: {  	_ =	shalt  }
0x81: {  	_ =	shalt  }
0x82: {  	_ =	shalt  }
0x83: {  	_ =	shalt  }
0x84: {  	_ =	shalt  }
0x85: {  	_ =	shalt  }
0x86: {  	_ =	shalt  }
0x87: {  	_ =	shalt  }
.Lfunc_end0:
.L_simem_size_0:
called_computation_lowered:
.L_overlay_start_0:
0x88: {  	s2 =	sld [smem:$0x3FD9]  }
0x89: {  	s3 =	sld [smem:$0x3FFE];
	_ =	sdelay $0x1  }
0x8a: {  	s1 =	srdreg.scid  }
0x8b: {  	s0 =	sand.u32 $0x1, s1  }
0x8c: {  	s17 =	sshll.u32 s0, $0xA;
	s2 =	sadd.s32 s3, s2  }
0x8d: {  	s2 =	sadd.s32 s2, s17  }
0x8e: {  	[smem:$0x3FC6] =	sst s2  }
0x8f: {  	_ = 	snop  }
0x90: {  	s2 =	sld [smem:$0x3FC8]  }
0x91: {  	s18 =	sld [smem:$0x3FD0];
	(tm) =	ssettm $0x1  }
0x92: {  	s4 =	sld [smem:$0x3FFB];
	_ =	sdelay $0x3  }
0x93: {  	_ =	strace s4  }
0x94: {  	s4 =	sld [smem:$0x3FFC];
	_ =	sdelay $0x3  }
0x95: {  	_ =	strace s4  }
0x96: {  	s4 =	sld [smem:$0x3FFD];
	_ =	sdelay $0x3  }
0x97: {  	_ =	strace s4  }
0x98: {  	_ =	strace $0x8FFFFFFF  }
0x99: {  	s19 =	sld [smem:$0x3FDB];
	_ =	sdelay $0x1  }
0x9a: {  	s5 =	simm.s32 $_scs_section_size  }
0x9b: {  	s6 =	simm.s32 $_size__tile_overlayer_lowered;
	s7 =	simm.s32 $_tile_overlayer_lowered  }
0x9c: {  	s22 =	simm.s32 $0x1BFF;
	s21 =	sshll.u32 s7, $0x1;
	s4 =	sadd.s32 s5, s19  }
0x9d: {  	s8 =	simm.s32 $0x0;
	s20 =	sshll.u32 s6, $0x1;
	s6 =	sadd.s32 s21, s4  }
0x9e: {  	[timem:s8], [sflag:s22] =	dma.local [hbm:s6], s20  }
0x9f: {  	_ =	swait.ge [sflag:s22], s20  }
0xa0: {  	s5 =	ssub.s32 $0x0, s20;
	[sflag:s22] =	ssyncset.done $0x0  }
0xa1: {  	[sflag:s22] =	ssyncadd.s32 s5;
	_ =	sdelay $0x1  }
0xa2: {  	s23 =	simm.s32 $0x1B8B  }
0xa3: {  	_ =	swait.ge [sflag:s23], $0x1  }
0xa4: {  	[sflag:s23] =	ssyncset.done $0x0  }
0xa5: {  	s25 =	simm.s32 $0x1B8E;
	s24 =	sld [smem:$0x3FFE];
	[sflag:s23] =	ssyncadd.s32 $0xFFFFFFFF  }
0xa6: {  	s26 =	simm.s32 $execute0_lowered;
	[smem:$0x3FD2] =	sst s25  }
0xa7: {  	s6 =	sshll.u32 s26, $0x1;
	_ =	strace $0x80000046;
	[dreg:$0x1] =	wrdreg $0xFFFFFFFF  }
0xa8: {  	s28 =	simm.s32 $_size_execute0_lowered;
	s4 =	sadd.s32 s4, s6;
	[dreg:$0x0] =	wrdreg $0x0  }
0xa9: {  	s6 =	sshll.u32 s28, $0x1;
	[dreg:$0x2] =	wrdreg s4  }
0xaa: {  	[dreg:$0x3] =	wrdreg s6  }
0xab: {  	[dreg:$0x4] =	wrdreg $0xC0  }
0xac: {  	_ =	task [dreg:s8], $0x5FFFF  }
0xad: {  	[dreg:$0x1] =	wrdreg $0xFFFFFFFF  }
0xae: {  	[dreg:$0x0] =	wrdreg $0x60  }
0xaf: {  	[dreg:$0x2] =	wrdreg s24  }
0xb0: {  	[dreg:$0x3] =	wrdreg s2  }
0xb1: {  	[dreg:$0x4] =	wrdreg s18  }
0xb2: {  	[dreg:$0x5] =	wrdreg $0x9  }
0xb3: {  	_ =	task.clear_ibuf [dreg:s8], $0x6FFFF;
	_ =	strace $0x90000046  }
0xb4: {  	s29 =	simm.s32 $0x9;
	_ =	strace $0x80000048  }
0xb5: {  	_ =	swait.ge [sflag:s29], $0x1  }
0xb6: {  	[sflag:s29] =	ssyncadd.s32 $0xFFFFFFFF  }
0xb7: {  	_ =	strace $0x90000048  }
0xb8: {  	_ =	sfence  }
0xb9: {  	s30 =	sld [smem:$0x0];
	_ =	sdelay $0x2  }
0xba: {  	s31 =	sshll.u32 s1, $0xD;
	s1 =	sshrl.u32 s1, $0x2  }
0xbb: {  	s3 =	sand.u32 $0x4000, s31;
	s1 =	sadd.s32 s1, s30  }
0xbc: {  	s0 =	sor.u32 s3, s0;
	s1 =	sshll.u32 s1, $0x11  }
0xbd: {  	s0 =	sor.u32 s1, s0  }
0xbe: {  	s0 =	sadd.s32 $0x8F2B, s0  }
0xbf: {  	[sflag:s0] =	ssyncadd.remote.s32 $0x1  }
0xc0: {  	_ =	sfence.sel $0xFFFF  }
0xc1: {  	[dreg:$0x0] =	wrdreg $0xFFFFFFFF;
	(pc) =	sbr.abs _section_cstart, $3  }
0xc2: {  	[dreg:$0x1] =	wrdreg $0xFFFFFFFF  }
0xc3: {  	_ =	task.clear_ibuf [dreg:s8], $0x2FFFF;
	_ =	strace $0x9FFFFFFF  }
0xc4: {  	(tm) =	ssettm $0x7FFFFFFF  }
0xc5: {  	_ =	shalt  }
tec
execute0_lowered:
.L_overlay_start_1:
0x0: {  	(tag) =	ssettag $0x1  }
0x1: {  	s0 =	rddreg [dreg:$0x0]  }
0x2: {  	s2 =	rddreg [dreg:$0x1]  }
0x3: {  	s3 =	rddreg [dreg:$0x2]  }
0x4: {  	s1 =	srdreg.scid;
	s5 =	stileid.u32;
	s4 =	simm.s32 $0x0  }
0x5: {  	s17 =	simm.s32 $0x400;
	s18 =	simm.s32 $0x800;
	s19 =	simm.s32 $0xC00  }
0x6: {  	s20 =	simm.s32 $0x1000;
	s28 =	simm.s32 $0x2;
	s29 =	simm.s32 $0x2000  }
0x7: {  	s30 =	simm.s32 $0x3;
	s1 =	sand.u32 $0x1, s1;
	s5 =	sshll.u32 s5, $0x1  }
0x8: {  	s31 =	simm.s32 $0x5;
	[smem:$0x7FF] =	sst s4;
	s5 =	sor.u32 s1, s5  }
0x9: {  	s14 =	sadd.s32 $0x190, s2;
	s1 =	ssub.s32 $0x2, s1;
	s6 =	sshll.u32 s5, $0xA  }
0xa: {  	_ =	strace $0x80000047;
	s7 =	sshrl.u32 s1, $0x1;
	s0 =	sadd.s32 s6, s0  }
0xb: {  	s5 =	smul.u32 $0x138800, s5;
	s1 =	ssub.s32 s1, s7;
	s6 =	sadd.s32 $0x400, s0  }
0xc: {  	s21 =	sadd.s32 $0x480, s0;
	s22 =	sadd.s32 $0x500, s0;
	[dreg:$0x4] =	wrdreg s6  }
0xd: {  	s23 =	sadd.s32 $0x580, s0;
	s24 =	sadd.s32 $0x600, s0;
	[dreg:$0x5] =	wrdreg s21  }
0xe: {  	s25 =	sshrl.u32 s5, $0x3;
	s26 =	sadd.s32 $0x680, s0;
	[dreg:$0x6] =	wrdreg s22  }
0xf: {  	s12 =	sadd.s32 $0x700, s0;
	s13 =	sadd.s32 $0x780, s0;
	[dreg:$0x7] =	wrdreg s23  }
.Ltmp0:
0x10: {  	s16 =	smax.u32 s1, $0x1;
	[dreg:$0x8] =	wrdreg s24;
	(pc) =	sbr.rel .LBB2_1-.Ltmp0, $4  }
0x11: {  	s0 =	simm.s32 $0x8400;
	s1 =	simm.s32 $0x4;
	[dreg:$0x9] =	wrdreg s26  }
0x12: {  	s6 =	sadd.s32 s25, s3;
	s21 =	simm.s32 $0x1400;
	s22 =	simm.s32 $0x1800  }
0x13: {  	s23 =	simm.s32 $0x1C00;
	s24 =	simm.s32 $0x1;
	s25 =	simm.s32 $0xE800  }
0x14: {  	s26 =	simm.s32 $0xF480;
	s15 =	sadd.s32 $0xC80, s6;
	s6 =	simm.s32 $0x0  }
.LBB2_12:
0x15: {  	s6 =	sadd.s32 $0x1, s6  }
0x16: {  	_ =	swait.ge [sflag:s1], $0x6400;
	p0 =	sne.s32 s6, s16  }
.Ltmp1:
0x17: {  	[sflag:s1] =	ssyncset.done $0x0;
	(pc) =	sbr.rel @!p0 .LBB2_13-.Ltmp1, $4  }
0x18: {  	[sflag:s1] =	ssyncadd.s32 $0xFFFF9C00  }
0x19: {  	_ =	swait.ge [sflag:s31], $0x6400  }
0x1a: {  	[sflag:s31] =	ssyncset.done $0x0  }
0x1b: {  	[sflag:s31] =	ssyncadd.s32 $0xFFFF9C00  }
.LBB2_1:
0x1c: {  	s7 =	rddreg [dreg:$0x4]  }
0x1d: {  	[tilespmem:s4], [sflag:$0x1] =	stream.linear.gather [hbm4b:s7+s4], $0x400, $0x38;
	[tilespmem:$0x10100] =	vst v63  }
0x1e: {  	s11 =	rddreg [dreg:$0x5]  }
0x1f: {  	[tilespmem:s17], [sflag:$0x1] =	stream.linear.gather [hbm4b:s11+s4], $0x400, $0x38;
	[tilespmem:$0x10100] =	vst v63  }
0x20: {  	s8 =	rddreg [dreg:$0x6]  }
0x21: {  	[tilespmem:s18], [sflag:$0x1] =	stream.linear.gather [hbm4b:s8+s4], $0x400, $0x38;
	[tilespmem:$0x10100] =	vst v63  }
0x22: {  	s9 =	rddreg [dreg:$0x7]  }
0x23: {  	[tilespmem:s19], [sflag:$0x1] =	stream.linear.gather [hbm4b:s9+s4], $0x400, $0x38;
	[tilespmem:$0x10100] =	vst v63  }
0x24: {  	s10 =	rddreg [dreg:$0x8]  }
0x25: {  	[tilespmem:s20], [sflag:$0x1] =	stream.linear.gather [hbm4b:s10+s4], $0x400, $0x38;
	[tilespmem:$0x10100] =	vst v63  }
0x26: {  	s11 =	rddreg [dreg:$0x9]  }
0x27: {  	[tilespmem:s21], [sflag:$0x1] =	stream.linear.gather [hbm4b:s11+s4], $0x400, $0x38;
	[tilespmem:$0x10100] =	vst v63  }
0x28: {  	_ = 	snop  }
0x29: {  	[tilespmem:s22], [sflag:$0x1] =	stream.linear.gather [hbm4b:s12+s4], $0x400, $0x38;
	[tilespmem:$0x10100] =	vst v63  }
0x2a: {  	_ = 	snop  }
0x2b: {  	[tilespmem:s23], [sflag:$0x1] =	stream.linear.gather [hbm4b:s13+s4], $0x400, $0x38;
	[tilespmem:$0x10100] =	vst v63  }
0x2c: {  	_ =	swait.ge [sflag:s24], $0x400  }
0x2d: {  	[sflag:s24] =	ssyncset.done $0x0  }
0x2e: {  	[sflag:s24] =	ssyncadd.s32 $0xFFFFFC00  }
0x2f: {  	_ =	swait.ge [sflag:s24], $0x400  }
0x30: {  	[sflag:s24] =	ssyncset.done $0x0  }
0x31: {  	[sflag:s24] =	ssyncadd.s32 $0xFFFFFC00  }
0x32: {  	_ =	swait.ge [sflag:s24], $0x400  }
0x33: {  	[sflag:s24] =	ssyncset.done $0x0  }
0x34: {  	[sflag:s24] =	ssyncadd.s32 $0xFFFFFC00  }
0x35: {  	_ =	swait.ge [sflag:s24], $0x400  }
0x36: {  	[sflag:s24] =	ssyncset.done $0x0  }
0x37: {  	[sflag:s24] =	ssyncadd.s32 $0xFFFFFC00  }
0x38: {  	_ =	swait.ge [sflag:s24], $0x400  }
0x39: {  	[sflag:s24] =	ssyncset.done $0x0  }
0x3a: {  	[sflag:s24] =	ssyncadd.s32 $0xFFFFFC00  }
0x3b: {  	_ =	swait.ge [sflag:s24], $0x400  }
0x3c: {  	[sflag:s24] =	ssyncset.done $0x0  }
0x3d: {  	[sflag:s24] =	ssyncadd.s32 $0xFFFFFC00  }
0x3e: {  	_ =	swait.ge [sflag:s24], $0x400  }
0x3f: {  	[sflag:s24] =	ssyncset.done $0x0  }
0x40: {  	[sflag:s24] =	ssyncadd.s32 $0xFFFFFC00  }
0x41: {  	_ =	swait.ge [sflag:s24], $0x400  }
0x42: {  	[sflag:s24] =	ssyncset.done $0x0  }
0x43: {  	[sflag:s24] =	ssyncadd.s32 $0xFFFFFC00  }
0x44: {  	[tilespmem:s25], [sflag:$0x2] =	stream.linear.gather [hbm4b:s2+s4], $0xC80, $0x38;
	[tilespmem:$0x10100] =	vst v63  }
0x45: {  	s7 =	simm.s32 $0x0  }
0x46: {  	[tilespmem:s26], [sflag:$0x3] =	stream.linear.gather [hbm4b:s14+s4], $0xC80, $0x38;
	[tilespmem:$0x10100] =	vst v63  }
.LBB2_2:
0x47: {  	_ =	swait.ge [sflag:s28], $0xC80  }
0x48: {  	p0 =	seq.s32 s7, $0x0;
	[sflag:s28] =	ssyncset.done $0x0  }
0x49: {  	s8 =	simm.s32 @!p0 $0x4;
	[sflag:s28] =	ssyncadd.s32 $0xFFFFF380  }
0x4a: {  	_ =	swait.ge @!p0 [sflag:s8], $0x6400  }
0x4b: {  	[sflag:s8] =	ssyncset.done @!p0 $0x0  }
0x4c: {  	s11 =	simm.s32 $0xE840;
	[sflag:s8] =	ssyncadd.s32 @!p0 $0xFFFF9C00  }
0x4d: {  	v0 =	vld [tilespmem:s11+$0x30]  }
0x4e: {  	v1 =	vld [tilespmem:s11+$0xFFFFFFD0]  }
0x4f: {  	v2 =	vld [tilespmem:s11+$0xFFFFFFE0]  }
0x50: {  	v3 =	vld [tilespmem:s11+$0xFFFFFFF0]  }
0x51: {  	v4 =	vld [tilespmem:s11+$0x0]  }
0x52: {  	v5 =	vld [tilespmem:s11+$0x10]  }
0x53: {  	v8 =	vld [tilespmem:s11+$0x20]  }
0x54: {  	v6 =	vld [tilespmem:s11+$0xFFFFFFC0]  }
0x55: {  	v7 =	vld.idx.msk [tilespmem:v0+s4+$0x0], $0xffff  }
0x56: {  	v9 =	vld.idx.msk [tilespmem:v0+s23+$0x0], $0xffff  }
0x57: {  	v10 =	vld.idx.msk [tilespmem:v0+s17+$0x0], $0xffff  }
0x58: {  	v11 =	vld.idx.msk [tilespmem:v0+s18+$0x0], $0xffff  }
0x59: {  	v12 =	vld.idx.msk [tilespmem:v0+s19+$0x0], $0xffff  }
0x5a: {  	v13 =	vld.idx.msk [tilespmem:v0+s20+$0x0], $0xffff  }
0x5b: {  	s9 =	simm.s32 $0x2200;
	v14 =	vld.idx.msk [tilespmem:v0+s21+$0x0], $0xffff  }
0x5c: {  	v0 =	vld.idx.msk [tilespmem:v0+s22+$0x0], $0xffff;
	[tilespmem:s9+$0x1F0] =	vst v9  }
0x5d: {  	v42 =	vld.idx.msk [tilespmem:v6+s4+$0x0], $0xffff;
	[tilespmem:s9+$0xFFFFFE70] =	vst v7  }
0x5e: {  	v43 =	vld.idx.msk [tilespmem:v6+s18+$0x0], $0xffff;
	[tilespmem:s9+$0xFFFFFEF0] =	vst v10  }
0x5f: {  	v44 =	vld.idx.msk [tilespmem:v6+s19+$0x0], $0xffff;
	[tilespmem:s9+$0xFFFFFF70] =	vst v11  }
0x60: {  	v45 =	vld.idx.msk [tilespmem:v6+s20+$0x0], $0xffff;
	[tilespmem:s9+$0xFFFFFFF0] =	vst v12  }
0x61: {  	v46 =	vld.idx.msk [tilespmem:v6+s21+$0x0], $0xffff;
	[tilespmem:s9+$0x70] =	vst v13  }
0x62: {  	v47 =	vld.idx.msk [tilespmem:v6+s22+$0x0], $0xffff;
	[tilespmem:s9+$0xF0] =	vst v14  }
0x63: {  	v7 =	vld.idx.msk [tilespmem:v6+s17+$0x0], $0xffff;
	[tilespmem:s9+$0x170] =	vst v0  }
0x64: {  	v0 =	vld.idx.msk [tilespmem:v6+s23+$0x0], $0xffff;
	[tilespmem:s9+$0xFFFFFE00] =	vst v42  }
0x65: {  	v48 =	vld.idx.msk [tilespmem:v1+s18+$0x0], $0xffff;
	[tilespmem:s9+$0xFFFFFF00] =	vst v43  }
0x66: {  	v49 =	vld.idx.msk [tilespmem:v1+s19+$0x0], $0xffff;
	[tilespmem:s9+$0xFFFFFF80] =	vst v44  }
0x67: {  	v6 =	vld.idx.msk [tilespmem:v1+s4+$0x0], $0xffff;
	[tilespmem:s9+$0x0] =	vst v45  }
0x68: {  	v50 =	vld.idx.msk [tilespmem:v1+s20+$0x0], $0xffff;
	[tilespmem:s9+$0x80] =	vst v46  }
0x69: {  	v51 =	vld.idx.msk [tilespmem:v1+s21+$0x0], $0xffff;
	[tilespmem:s9+$0x100] =	vst v47  }
0x6a: {  	v52 =	vld.idx.msk [tilespmem:v1+s22+$0x0], $0xffff;
	[tilespmem:s9+$0xFFFFFE80] =	vst v7  }
0x6b: {  	v7 =	vld.idx.msk [tilespmem:v1+s17+$0x0], $0xffff;
	[tilespmem:s9+$0x180] =	vst v0  }
0x6c: {  	v0 =	vld.idx.msk [tilespmem:v1+s23+$0x0], $0xffff;
	[tilespmem:s9+$0xFFFFFE10] =	vst v6  }
0x6d: {  	v53 =	vld.idx.msk [tilespmem:v2+s19+$0x0], $0xffff;
	[tilespmem:s9+$0xFFFFFF10] =	vst v48  }
0x6e: {  	v54 =	vld.idx.msk [tilespmem:v2+s20+$0x0], $0xffff;
	[tilespmem:s9+$0xFFFFFF90] =	vst v49  }
0x6f: {  	v1 =	vld.idx.msk [tilespmem:v2+s4+$0x0], $0xffff;
	[tilespmem:s9+$0x10] =	vst v50  }
0x70: {  	v6 =	vld.idx.msk [tilespmem:v2+s17+$0x0], $0xffff;
	[tilespmem:s9+$0x90] =	vst v51  }
0x71: {  	v55 =	vld.idx.msk [tilespmem:v2+s21+$0x0], $0xffff;
	[tilespmem:s9+$0x110] =	vst v52  }
0x72: {  	v56 =	vld.idx.msk [tilespmem:v2+s22+$0x0], $0xffff;
	[tilespmem:s9+$0xFFFFFE90] =	vst v7  }
0x73: {  	v7 =	vld.idx.msk [tilespmem:v2+s18+$0x0], $0xffff;
	[tilespmem:s9+$0x190] =	vst v0  }
0x74: {  	v0 =	vld.idx.msk [tilespmem:v2+s23+$0x0], $0xffff;
	[tilespmem:s9+$0xFFFFFE20] =	vst v1  }
0x75: {  	v57 =	vld.idx.msk [tilespmem:v3+s20+$0x0], $0xffff;
	[tilespmem:s9+$0xFFFFFEA0] =	vst v6  }
0x76: {  	v58 =	vld.idx.msk [tilespmem:v3+s21+$0x0], $0xffff;
	[tilespmem:s9+$0xFFFFFFA0] =	vst v53  }
0x77: {  	v1 =	vld.idx.msk [tilespmem:v3+s4+$0x0], $0xffff;
	[tilespmem:s9+$0x20] =	vst v54  }
0x78: {  	v2 =	vld.idx.msk [tilespmem:v3+s17+$0x0], $0xffff;
	[tilespmem:s9+$0xA0] =	vst v55  }
0x79: {  	v6 =	vld.idx.msk [tilespmem:v3+s18+$0x0], $0xffff;
	[tilespmem:s9+$0x120] =	vst v56  }
0x7a: {  	v59 =	vld.idx.msk [tilespmem:v3+s22+$0x0], $0xffff;
	[tilespmem:s9+$0xFFFFFF20] =	vst v7  }
0x7b: {  	v7 =	vld.idx.msk [tilespmem:v3+s19+$0x0], $0xffff;
	[tilespmem:s9+$0x1A0] =	vst v0  }
0x7c: {  	v0 =	vld.idx.msk [tilespmem:v3+s23+$0x0], $0xffff;
	[tilespmem:s9+$0xFFFFFE30] =	vst v1  }
0x7d: {  	v60 =	vld.idx.msk [tilespmem:v4+s21+$0x0], $0xffff;
	[tilespmem:s9+$0xFFFFFEB0] =	vst v2  }
0x7e: {  	v61 =	vld.idx.msk [tilespmem:v4+s22+$0x0], $0xffff;
	[tilespmem:s9+$0xFFFFFF30] =	vst v6  }
0x7f: {  	v1 =	vld.idx.msk [tilespmem:v4+s4+$0x0], $0xffff;
	[tilespmem:s9+$0x30] =	vst v57  }
0x80: {  	v2 =	vld.idx.msk [tilespmem:v4+s17+$0x0], $0xffff;
	[tilespmem:s9+$0xB0] =	vst v58  }
0x81: {  	v3 =	vld.idx.msk [tilespmem:v4+s18+$0x0], $0xffff;
	[tilespmem:s9+$0x130] =	vst v59  }
0x82: {  	v6 =	vld.idx.msk [tilespmem:v4+s19+$0x0], $0xffff;
	[tilespmem:s9+$0xFFFFFFB0] =	vst v7  }
0x83: {  	v7 =	vld.idx.msk [tilespmem:v4+s20+$0x0], $0xffff;
	[tilespmem:s9+$0x1B0] =	vst v0  }
0x84: {  	v0 =	vld.idx.msk [tilespmem:v4+s23+$0x0], $0xffff;
	[tilespmem:s9+$0xFFFFFE40] =	vst v1  }
0x85: {  	v62 =	vld.idx.msk [tilespmem:v5+s22+$0x0], $0xffff;
	[tilespmem:s9+$0xFFFFFEC0] =	vst v2  }
0x86: {  	v1 =	vld.idx.msk [tilespmem:v5+s4+$0x0], $0xffff;
	[tilespmem:s9+$0xFFFFFF40] =	vst v3  }
0x87: {  	v2 =	vld.idx.msk [tilespmem:v5+s17+$0x0], $0xffff;
	[tilespmem:s9+$0xFFFFFFC0] =	vst v6  }
0x88: {  	v3 =	vld.idx.msk [tilespmem:v5+s18+$0x0], $0xffff;
	[tilespmem:s9+$0xC0] =	vst v60  }
0x89: {  	v4 =	vld.idx.msk [tilespmem:v5+s19+$0x0], $0xffff;
	[tilespmem:s9+$0x140] =	vst v61  }
0x8a: {  	v6 =	vld.idx.msk [tilespmem:v5+s20+$0x0], $0xffff;
	[tilespmem:s9+$0x40] =	vst v7  }
0x8b: {  	v7 =	vld.idx.msk [tilespmem:v5+s21+$0x0], $0xffff;
	[tilespmem:s9+$0x1C0] =	vst v0  }
0x8c: {  	v0 =	vld.idx.msk [tilespmem:v5+s23+$0x0], $0xffff;
	[tilespmem:s9+$0xFFFFFE50] =	vst v1  }
0x8d: {  	v63 =	vld.idx.msk [tilespmem:v8+s4+$0x0], $0xffff;
	[tilespmem:s9+$0xFFFFFED0] =	vst v2  }
0x8e: {  	v1 =	vld.idx.msk [tilespmem:v8+s17+$0x0], $0xffff;
	[tilespmem:s9+$0xFFFFFF50] =	vst v3  }
0x8f: {  	v2 =	vld.idx.msk [tilespmem:v8+s18+$0x0], $0xffff;
	[tilespmem:s9+$0xFFFFFFD0] =	vst v4  }
0x90: {  	v3 =	vld.idx.msk [tilespmem:v8+s19+$0x0], $0xffff;
	[tilespmem:s9+$0x50] =	vst v6  }
0x91: {  	v4 =	vld.idx.msk [tilespmem:v8+s20+$0x0], $0xffff;
	[tilespmem:s9+$0x150] =	vst v62  }
0x92: {  	v6 =	vld.idx.msk [tilespmem:v8+s21+$0x0], $0xffff;
	[tilespmem:s9+$0xD0] =	vst v7  }
0x93: {  	v5 =	vld.idx.msk [tilespmem:v8+s23+$0x0], $0xffff;
	[tilespmem:s9+$0x1D0] =	vst v0  }
0x94: {  	s10 =	simm.s32 $0x0;
	s8 =	smul.u32 $0x1900, s7;
	s11 =	simm.s32 $0xE8C0;
	v7 =	vld.idx.msk [tilespmem:v8+s22+$0x0], $0xffff;
	[tilespmem:s9+$0xFFFFFE60] =	vst v63  }
.LBB2_3:
0x95: {  	v8 =	vld [tilespmem:s11+$0x30];
	[tilespmem:s9+$0xFFFFFEE0] =	vst v1  }
0x96: {  	s10 =	sadd.s32 $0x8, s10;
	v9 =	vld [tilespmem:s11+$0xFFFFFFD0];
	[tilespmem:s9+$0xFFFFFF60] =	vst v2  }
0x97: {  	p1 =	slt.u32 s10, $0xC0;
	v10 =	vld [tilespmem:s11+$0xFFFFFFE0];
	[tilespmem:s9+$0xFFFFFFE0] =	vst v3  }
0x98: {  	v3 =	vld [tilespmem:s11+$0xFFFFFFF0];
	[tilespmem:s9+$0x60] =	vst v4  }
0x99: {  	v2 =	vld [tilespmem:s11+$0x0];
	[tilespmem:s9+$0xE0] =	vst v6  }
0x9a: {  	v1 =	vld [tilespmem:s11+$0x10];
	[tilespmem:s9+$0x160] =	vst v7  }
0x9b: {  	v0 =	vld [tilespmem:s11+$0x20];
	[tilespmem:s9+$0x1E0] =	vst v5  }
0x9c: {  	v4 =	vld [tilespmem:s11+$0xFFFFFFC0]  }
0x9d: {  	v5 =	vld.idx.msk [tilespmem:v8+s4+$0x0], $0xffff  }
0x9e: {  	v6 =	vld.idx.msk [tilespmem:v8+s23+$0x0], $0xffff  }
0x9f: {  	v7 =	vld.idx.msk [tilespmem:v8+s17+$0x0], $0xffff  }
0xa0: {  	v11 =	vld.idx.msk [tilespmem:v8+s18+$0x0], $0xffff  }
0xa1: {  	v12 =	vld.idx.msk [tilespmem:v8+s19+$0x0], $0xffff  }
0xa2: {  	v13 =	vld.idx.msk [tilespmem:v8+s20+$0x0], $0xffff  }
0xa3: {  	s9 =	sadd.s32 $0x400, s9;
	v14 =	vld.idx.msk [tilespmem:v8+s21+$0x0], $0xffff  }
0xa4: {  	v8 =	vld.idx.msk [tilespmem:v8+s22+$0x0], $0xffff;
	[tilespmem:s9+$0x1F0] =	vst v6  }
0xa5: {  	v6 =	vld.idx.msk [tilespmem:v4+s4+$0x0], $0xffff;
	[tilespmem:s9+$0xFFFFFE70] =	vst v5  }
0xa6: {  	v5 =	vld.idx.msk [tilespmem:v4+s17+$0x0], $0xffff;
	[tilespmem:s9+$0xFFFFFEF0] =	vst v7  }
0xa7: {  	v7 =	vld.idx.msk [tilespmem:v4+s18+$0x0], $0xffff;
	[tilespmem:s9+$0xFFFFFF70] =	vst v11  }
0xa8: {  	v11 =	vld.idx.msk [tilespmem:v4+s19+$0x0], $0xffff;
	[tilespmem:s9+$0xFFFFFFF0] =	vst v12  }
0xa9: {  	v12 =	vld.idx.msk [tilespmem:v4+s20+$0x0], $0xffff;
	[tilespmem:s9+$0x70] =	vst v13  }
0xaa: {  	v13 =	vld.idx.msk [tilespmem:v4+s21+$0x0], $0xffff;
	[tilespmem:s9+$0xF0] =	vst v14  }
0xab: {  	v14 =	vld.idx.msk [tilespmem:v4+s22+$0x0], $0xffff;
	[tilespmem:s9+$0x170] =	vst v8  }
0xac: {  	v4 =	vld.idx.msk [tilespmem:v4+s23+$0x0], $0xffff;
	[tilespmem:s9+$0xFFFFFE00] =	vst v6  }
0xad: {  	[tilespmem:s9+$0xFFFFFE80] =	vst v5;
	v5 =	vld.idx.msk [tilespmem:v9+s4+$0x0], $0xffff  }
0xae: {  	[tilespmem:s9+$0xFFFFFF00] =	vst v7;
	v6 =	vld.idx.msk [tilespmem:v9+s17+$0x0], $0xffff  }
0xaf: {  	[tilespmem:s9+$0xFFFFFF80] =	vst v11;
	v7 =	vld.idx.msk [tilespmem:v9+s18+$0x0], $0xffff  }
0xb0: {  	[tilespmem:s9+$0x0] =	vst v12;
	v8 =	vld.idx.msk [tilespmem:v9+s19+$0x0], $0xffff  }
0xb1: {  	[tilespmem:s9+$0x80] =	vst v13;
	v11 =	vld.idx.msk [tilespmem:v9+s20+$0x0], $0xffff  }
0xb2: {  	[tilespmem:s9+$0x100] =	vst v14;
	v12 =	vld.idx.msk [tilespmem:v9+s21+$0x0], $0xffff  }
0xb3: {  	[tilespmem:s9+$0x180] =	vst v4;
	v4 =	vld.idx.msk [tilespmem:v9+s22+$0x0], $0xffff  }
0xb4: {  	v9 =	vld.idx.msk [tilespmem:v9+s23+$0x0], $0xffff;
	[tilespmem:s9+$0xFFFFFE10] =	vst v5  }
0xb5: {  	[tilespmem:s9+$0xFFFFFE90] =	vst v6;
	v5 =	vld.idx.msk [tilespmem:v10+s4+$0x0], $0xffff  }
0xb6: {  	[tilespmem:s9+$0xFFFFFF10] =	vst v7;
	v6 =	vld.idx.msk [tilespmem:v10+s17+$0x0], $0xffff  }
0xb7: {  	[tilespmem:s9+$0xFFFFFF90] =	vst v8;
	v7 =	vld.idx.msk [tilespmem:v10+s18+$0x0], $0xffff  }
0xb8: {  	[tilespmem:s9+$0x10] =	vst v11;
	v8 =	vld.idx.msk [tilespmem:v10+s19+$0x0], $0xffff  }
0xb9: {  	[tilespmem:s9+$0x90] =	vst v12;
	v11 =	vld.idx.msk [tilespmem:v10+s20+$0x0], $0xffff  }
0xba: {  	[tilespmem:s9+$0x110] =	vst v4;
	v4 =	vld.idx.msk [tilespmem:v10+s21+$0x0], $0xffff  }
0xbb: {  	[tilespmem:s9+$0x190] =	vst v9;
	v9 =	vld.idx.msk [tilespmem:v10+s22+$0x0], $0xffff  }
0xbc: {  	v10 =	vld.idx.msk [tilespmem:v10+s23+$0x0], $0xffff;
	[tilespmem:s9+$0xFFFFFE20] =	vst v5  }
0xbd: {  	[tilespmem:s9+$0xFFFFFEA0] =	vst v6;
	v5 =	vld.idx.msk [tilespmem:v3+s4+$0x0], $0xffff  }
0xbe: {  	[tilespmem:s9+$0xFFFFFF20] =	vst v7;
	v6 =	vld.idx.msk [tilespmem:v3+s17+$0x0], $0xffff  }
0xbf: {  	[tilespmem:s9+$0xFFFFFFA0] =	vst v8;
	v7 =	vld.idx.msk [tilespmem:v3+s18+$0x0], $0xffff  }
0xc0: {  	[tilespmem:s9+$0x20] =	vst v11;
	v8 =	vld.idx.msk [tilespmem:v3+s19+$0x0], $0xffff  }
0xc1: {  	[tilespmem:s9+$0xA0] =	vst v4;
	v4 =	vld.idx.msk [tilespmem:v3+s20+$0x0], $0xffff  }
0xc2: {  	[tilespmem:s9+$0x120] =	vst v9;
	v9 =	vld.idx.msk [tilespmem:v3+s21+$0x0], $0xffff  }
0xc3: {  	[tilespmem:s9+$0x1A0] =	vst v10;
	v10 =	vld.idx.msk [tilespmem:v3+s22+$0x0], $0xffff  }
0xc4: {  	v3 =	vld.idx.msk [tilespmem:v3+s23+$0x0], $0xffff;
	[tilespmem:s9+$0xFFFFFE30] =	vst v5  }
0xc5: {  	[tilespmem:s9+$0xFFFFFEB0] =	vst v6;
	v5 =	vld.idx.msk [tilespmem:v2+s4+$0x0], $0xffff  }
0xc6: {  	[tilespmem:s9+$0xFFFFFF30] =	vst v7;
	v6 =	vld.idx.msk [tilespmem:v2+s17+$0x0], $0xffff  }
0xc7: {  	[tilespmem:s9+$0xFFFFFFB0] =	vst v8;
	v7 =	vld.idx.msk [tilespmem:v2+s18+$0x0], $0xffff  }
0xc8: {  	[tilespmem:s9+$0x30] =	vst v4;
	v4 =	vld.idx.msk [tilespmem:v2+s19+$0x0], $0xffff  }
0xc9: {  	[tilespmem:s9+$0xB0] =	vst v9;
	v8 =	vld.idx.msk [tilespmem:v2+s20+$0x0], $0xffff  }
0xca: {  	[tilespmem:s9+$0x130] =	vst v10;
	v9 =	vld.idx.msk [tilespmem:v2+s21+$0x0], $0xffff  }
0xcb: {  	[tilespmem:s9+$0x1B0] =	vst v3;
	v3 =	vld.idx.msk [tilespmem:v2+s22+$0x0], $0xffff  }
0xcc: {  	v2 =	vld.idx.msk [tilespmem:v2+s23+$0x0], $0xffff;
	[tilespmem:s9+$0xFFFFFE40] =	vst v5  }
0xcd: {  	[tilespmem:s9+$0xFFFFFEC0] =	vst v6;
	v5 =	vld.idx.msk [tilespmem:v1+s4+$0x0], $0xffff  }
0xce: {  	[tilespmem:s9+$0xFFFFFF40] =	vst v7;
	v6 =	vld.idx.msk [tilespmem:v1+s17+$0x0], $0xffff  }
0xcf: {  	[tilespmem:s9+$0xFFFFFFC0] =	vst v4;
	v4 =	vld.idx.msk [tilespmem:v1+s18+$0x0], $0xffff  }
0xd0: {  	[tilespmem:s9+$0x40] =	vst v8;
	v7 =	vld.idx.msk [tilespmem:v1+s19+$0x0], $0xffff  }
0xd1: {  	[tilespmem:s9+$0xC0] =	vst v9;
	v8 =	vld.idx.msk [tilespmem:v1+s20+$0x0], $0xffff  }
0xd2: {  	[tilespmem:s9+$0x140] =	vst v3;
	v9 =	vld.idx.msk [tilespmem:v1+s21+$0x0], $0xffff  }
0xd3: {  	[tilespmem:s9+$0x1C0] =	vst v2;
	v10 =	vld.idx.msk [tilespmem:v1+s22+$0x0], $0xffff  }
0xd4: {  	v11 =	vld.idx.msk [tilespmem:v1+s23+$0x0], $0xffff;
	[tilespmem:s9+$0xFFFFFE50] =	vst v5  }
0xd5: {  	[tilespmem:s9+$0xFFFFFED0] =	vst v6;
	v12 =	vld.idx.msk [tilespmem:v0+s4+$0x0], $0xffff  }
0xd6: {  	[tilespmem:s9+$0xFFFFFF50] =	vst v4;
	v1 =	vld.idx.msk [tilespmem:v0+s17+$0x0], $0xffff  }
0xd7: {  	[tilespmem:s9+$0xFFFFFFD0] =	vst v7;
	v2 =	vld.idx.msk [tilespmem:v0+s18+$0x0], $0xffff  }
.Ltmp2:
0xd8: {  	[tilespmem:s9+$0x50] =	vst v8;
	v3 =	vld.idx.msk [tilespmem:v0+s19+$0x0], $0xffff;
	(pc) =	sbr.rel @p1 .LBB2_3-.Ltmp2, $4  }
0xd9: {  	[tilespmem:s9+$0xD0] =	vst v9;
	v4 =	vld.idx.msk [tilespmem:v0+s20+$0x0], $0xffff  }
0xda: {  	[tilespmem:s9+$0x150] =	vst v10;
	v6 =	vld.idx.msk [tilespmem:v0+s21+$0x0], $0xffff  }
0xdb: {  	[tilespmem:s9+$0x1D0] =	vst v11;
	v7 =	vld.idx.msk [tilespmem:v0+s22+$0x0], $0xffff  }
0xdc: {  	s11 =	sadd.s32 $0x80, s11;
	v5 =	vld.idx.msk [tilespmem:v0+s23+$0x0], $0xffff;
	[tilespmem:s9+$0xFFFFFE60] =	vst v12  }
0xdd: {  	[tilespmem:s9+$0xFFFFFEE0] =	vst v1  }
0xde: {  	[tilespmem:s9+$0xFFFFFF60] =	vst v2  }
0xdf: {  	[tilespmem:s9+$0xFFFFFFE0] =	vst v3;
	s10 =	smul.u32 $0xC800, s7;
	p1 =	sne.s32 s7, $0x18  }
.Ltmp3:
0xe0: {  	[tilespmem:s9+$0x60] =	vst v4;
	(pc) =	sbr.rel @p1 .LBB2_6-.Ltmp3, $4  }
0xe1: {  	[tilespmem:s9+$0xE0] =	vst v6;
	s10 =	sadd.s32 s5, s10  }
0xe2: {  	[tilespmem:s9+$0x160] =	vst v7;
	s10 =	sshrl.u32 s10, $0x3  }
0xe3: {  	[tilespmem:s9+$0x1E0] =	vst v5;
	s11 =	sadd.s32 s3, s10  }
0xe4: {  	[hbm4b:s11+s4] =	stream.linear.scatter [tilespmem:s29], [sflag:$0x4], $0x6400, $0x38;
	[tilespmem:$0x10100] =	vst v63  }
.Ltmp4:
0xe5: {  	(pc) =	sbr.rel .LBB2_7-.Ltmp4, $4  }
0xe6: {  	_ = 	snop  }
0xe7: {  	_ =	swait.ge [sflag:s30], $0xC80  }
0xe8: {  	[sflag:s30] =	ssyncset.done $0x0  }
0xe9: {  	[sflag:s30] =	ssyncadd.s32 $0xFFFFF380  }
.LBB2_6:
0xea: {  	s9 =	sshrl.u32 s8, $0x3  }
0xeb: {  	s9 =	sadd.s32 s2, s9  }
.Ltmp5:
0xec: {  	s9 =	sadd.s32 $0x320, s9;
	(pc) =	sbr.rel @p0 .LBB2_8-.Ltmp5, $4  }
0xed: {  	[tilespmem:s25], [sflag:$0x2] =	stream.linear.gather [hbm4b:s9+s4], $0xC80, $0x38;
	[tilespmem:$0x10100] =	vst v63  }
0xee: {  	_ =	swait.ge [sflag:s30], $0xC80  }
0xef: {  	[sflag:s30] =	ssyncset.done $0x0  }
0xf0: {  	[sflag:s30] =	ssyncadd.s32 $0xFFFFF380  }
.LBB2_7:
0xf1: {  	_ =	swait.ge [sflag:s31], $0x6400  }
0xf2: {  	[sflag:s31] =	ssyncset.done $0x0  }
0xf3: {  	[sflag:s31] =	ssyncadd.s32 $0xFFFF9C00  }
.LBB2_8:
0xf4: {  	s9 =	simm.s32 $0xF4C0  }
0xf5: {  	v0 =	vld [tilespmem:s9+$0x30]  }
0xf6: {  	v1 =	vld [tilespmem:s9+$0xFFFFFFD0]  }
0xf7: {  	v2 =	vld [tilespmem:s9+$0xFFFFFFE0]  }
0xf8: {  	v3 =	vld [tilespmem:s9+$0xFFFFFFF0]  }
0xf9: {  	v4 =	vld [tilespmem:s9+$0x0]  }
0xfa: {  	v5 =	vld [tilespmem:s9+$0x10]  }
0xfb: {  	v7 =	vld [tilespmem:s9+$0x20]  }
0xfc: {  	v6 =	vld [tilespmem:s9+$0xFFFFFFC0]  }
0xfd: {  	v8 =	vld.idx.msk [tilespmem:v0+s4+$0x0], $0xffff  }
0xfe: {  	v9 =	vld.idx.msk [tilespmem:v0+s23+$0x0], $0xffff  }
0xff: {  	v10 =	vld.idx.msk [tilespmem:v0+s17+$0x0], $0xffff  }
0x100: {  	v11 =	vld.idx.msk [tilespmem:v0+s18+$0x0], $0xffff  }
0x101: {  	v12 =	vld.idx.msk [tilespmem:v0+s19+$0x0], $0xffff  }
0x102: {  	v13 =	vld.idx.msk [tilespmem:v0+s20+$0x0], $0xffff  }
0x103: {  	v14 =	vld.idx.msk [tilespmem:v0+s21+$0x0], $0xffff  }
0x104: {  	v0 =	vld.idx.msk [tilespmem:v0+s22+$0x0], $0xffff  }
0x105: {  	s9 =	simm.s32 $0x8600;
	v42 =	vld.idx.msk [tilespmem:v6+s4+$0x0], $0xffff  }
0x106: {  	v43 =	vld.idx.msk [tilespmem:v6+s18+$0x0], $0xffff;
	[tilespmem:s9+$0x1F0] =	vst v9  }
0x107: {  	v44 =	vld.idx.msk [tilespmem:v6+s19+$0x0], $0xffff;
	[tilespmem:s9+$0xFFFFFE70] =	vst v8  }
0x108: {  	v45 =	vld.idx.msk [tilespmem:v6+s20+$0x0], $0xffff;
	[tilespmem:s9+$0xFFFFFEF0] =	vst v10  }
0x109: {  	v46 =	vld.idx.msk [tilespmem:v6+s21+$0x0], $0xffff;
	[tilespmem:s9+$0xFFFFFF70] =	vst v11  }
0x10a: {  	v47 =	vld.idx.msk [tilespmem:v6+s22+$0x0], $0xffff;
	[tilespmem:s9+$0xFFFFFFF0] =	vst v12  }
0x10b: {  	v48 =	vld.idx.msk [tilespmem:v1+s18+$0x0], $0xffff;
	[tilespmem:s9+$0x70] =	vst v13  }
0x10c: {  	v49 =	vld.idx.msk [tilespmem:v1+s19+$0x0], $0xffff;
	[tilespmem:s9+$0xF0] =	vst v14  }
0x10d: {  	v8 =	vld.idx.msk [tilespmem:v6+s17+$0x0], $0xffff;
	[tilespmem:s9+$0x170] =	vst v0  }
0x10e: {  	v0 =	vld.idx.msk [tilespmem:v6+s23+$0x0], $0xffff;
	[tilespmem:s9+$0xFFFFFE00] =	vst v42  }
0x10f: {  	v50 =	vld.idx.msk [tilespmem:v1+s20+$0x0], $0xffff;
	[tilespmem:s9+$0xFFFFFF00] =	vst v43  }
0x110: {  	v51 =	vld.idx.msk [tilespmem:v1+s21+$0x0], $0xffff;
	[tilespmem:s9+$0xFFFFFF80] =	vst v44  }
0x111: {  	v6 =	vld.idx.msk [tilespmem:v1+s4+$0x0], $0xffff;
	[tilespmem:s9+$0x0] =	vst v45  }
0x112: {  	v52 =	vld.idx.msk [tilespmem:v1+s22+$0x0], $0xffff;
	[tilespmem:s9+$0x80] =	vst v46  }
0x113: {  	v53 =	vld.idx.msk [tilespmem:v2+s19+$0x0], $0xffff;
	[tilespmem:s9+$0x100] =	vst v47  }
0x114: {  	v54 =	vld.idx.msk [tilespmem:v2+s20+$0x0], $0xffff;
	[tilespmem:s9+$0xFFFFFE80] =	vst v8  }
0x115: {  	v8 =	vld.idx.msk [tilespmem:v1+s17+$0x0], $0xffff;
	[tilespmem:s9+$0x180] =	vst v0  }
0x116: {  	v0 =	vld.idx.msk [tilespmem:v1+s23+$0x0], $0xffff;
	[tilespmem:s9+$0xFFFFFE10] =	vst v6  }
0x117: {  	v55 =	vld.idx.msk [tilespmem:v2+s21+$0x0], $0xffff;
	[tilespmem:s9+$0xFFFFFF10] =	vst v48  }
0x118: {  	v56 =	vld.idx.msk [tilespmem:v2+s22+$0x0], $0xffff;
	[tilespmem:s9+$0xFFFFFF90] =	vst v49  }
0x119: {  	v1 =	vld.idx.msk [tilespmem:v2+s4+$0x0], $0xffff;
	[tilespmem:s9+$0x10] =	vst v50  }
0x11a: {  	v6 =	vld.idx.msk [tilespmem:v2+s17+$0x0], $0xffff;
	[tilespmem:s9+$0x90] =	vst v51  }
0x11b: {  	v57 =	vld.idx.msk [tilespmem:v3+s20+$0x0], $0xffff;
	[tilespmem:s9+$0x110] =	vst v52  }
0x11c: {  	v58 =	vld.idx.msk [tilespmem:v3+s21+$0x0], $0xffff;
	[tilespmem:s9+$0xFFFFFE90] =	vst v8  }
0x11d: {  	v8 =	vld.idx.msk [tilespmem:v2+s18+$0x0], $0xffff;
	[tilespmem:s9+$0x190] =	vst v0  }
0x11e: {  	v0 =	vld.idx.msk [tilespmem:v2+s23+$0x0], $0xffff;
	[tilespmem:s9+$0xFFFFFE20] =	vst v1  }
0x11f: {  	v59 =	vld.idx.msk [tilespmem:v3+s22+$0x0], $0xffff;
	[tilespmem:s9+$0xFFFFFEA0] =	vst v6  }
0x120: {  	v60 =	vld.idx.msk [tilespmem:v4+s21+$0x0], $0xffff;
	[tilespmem:s9+$0xFFFFFFA0] =	vst v53  }
0x121: {  	v1 =	vld.idx.msk [tilespmem:v3+s4+$0x0], $0xffff;
	[tilespmem:s9+$0x20] =	vst v54  }
0x122: {  	v2 =	vld.idx.msk [tilespmem:v3+s17+$0x0], $0xffff;
	[tilespmem:s9+$0xA0] =	vst v55  }
0x123: {  	v6 =	vld.idx.msk [tilespmem:v3+s18+$0x0], $0xffff;
	[tilespmem:s9+$0x120] =	vst v56  }
0x124: {  	v61 =	vld.idx.msk [tilespmem:v4+s22+$0x0], $0xffff;
	[tilespmem:s9+$0xFFFFFF20] =	vst v8  }
0x125: {  	v8 =	vld.idx.msk [tilespmem:v3+s19+$0x0], $0xffff;
	[tilespmem:s9+$0x1A0] =	vst v0  }
0x126: {  	v0 =	vld.idx.msk [tilespmem:v3+s23+$0x0], $0xffff;
	[tilespmem:s9+$0xFFFFFE30] =	vst v1  }
0x127: {  	v62 =	vld.idx.msk [tilespmem:v5+s22+$0x0], $0xffff;
	[tilespmem:s9+$0xFFFFFEB0] =	vst v2  }
0x128: {  	v63 =	vld.idx.msk [tilespmem:v7+s4+$0x0], $0xffff;
	[tilespmem:s9+$0xFFFFFF30] =	vst v6  }
0x129: {  	v1 =	vld.idx.msk [tilespmem:v4+s4+$0x0], $0xffff;
	[tilespmem:s9+$0x30] =	vst v57  }
0x12a: {  	v2 =	vld.idx.msk [tilespmem:v4+s17+$0x0], $0xffff;
	[tilespmem:s9+$0xB0] =	vst v58  }
0x12b: {  	v3 =	vld.idx.msk [tilespmem:v4+s18+$0x0], $0xffff;
	[tilespmem:s9+$0x130] =	vst v59  }
0x12c: {  	v6 =	vld.idx.msk [tilespmem:v4+s19+$0x0], $0xffff;
	[tilespmem:s9+$0xFFFFFFB0] =	vst v8  }
0x12d: {  	v8 =	vld.idx.msk [tilespmem:v4+s20+$0x0], $0xffff;
	[tilespmem:s9+$0x1B0] =	vst v0  }
0x12e: {  	v0 =	vld.idx.msk [tilespmem:v4+s23+$0x0], $0xffff;
	[tilespmem:s9+$0xFFFFFE40] =	vst v1  }
0x12f: {  	v1 =	vld.idx.msk [tilespmem:v5+s4+$0x0], $0xffff;
	[tilespmem:s9+$0xFFFFFEC0] =	vst v2  }
0x130: {  	v2 =	vld.idx.msk [tilespmem:v5+s17+$0x0], $0xffff;
	[tilespmem:s9+$0xFFFFFF40] =	vst v3  }
0x131: {  	v3 =	vld.idx.msk [tilespmem:v5+s18+$0x0], $0xffff;
	[tilespmem:s9+$0xFFFFFFC0] =	vst v6  }
0x132: {  	v4 =	vld.idx.msk [tilespmem:v5+s19+$0x0], $0xffff;
	[tilespmem:s9+$0xC0] =	vst v60  }
0x133: {  	v6 =	vld.idx.msk [tilespmem:v5+s20+$0x0], $0xffff;
	[tilespmem:s9+$0x140] =	vst v61  }
0x134: {  	[tilespmem:s9+$0x40] =	vst v8;
	v8 =	vld.idx.msk [tilespmem:v5+s21+$0x0], $0xffff  }
0x135: {  	[tilespmem:s9+$0x1C0] =	vst v0;
	v0 =	vld.idx.msk [tilespmem:v5+s23+$0x0], $0xffff  }
0x136: {  	[tilespmem:s9+$0xFFFFFE50] =	vst v1;
	v1 =	vld.idx.msk [tilespmem:v7+s17+$0x0], $0xffff  }
0x137: {  	[tilespmem:s9+$0xFFFFFED0] =	vst v2;
	v2 =	vld.idx.msk [tilespmem:v7+s18+$0x0], $0xffff  }
0x138: {  	[tilespmem:s9+$0xFFFFFF50] =	vst v3;
	v3 =	vld.idx.msk [tilespmem:v7+s19+$0x0], $0xffff  }
0x139: {  	[tilespmem:s9+$0xFFFFFFD0] =	vst v4;
	v4 =	vld.idx.msk [tilespmem:v7+s20+$0x0], $0xffff  }
0x13a: {  	[tilespmem:s9+$0x50] =	vst v6;
	v5 =	vld.idx.msk [tilespmem:v7+s21+$0x0], $0xffff  }
0x13b: {  	[tilespmem:s9+$0x150] =	vst v62;
	v6 =	vld.idx.msk [tilespmem:v7+s22+$0x0], $0xffff  }
0x13c: {  	v7 =	vld.idx.msk [tilespmem:v7+s23+$0x0], $0xffff;
	[tilespmem:s9+$0xFFFFFE60] =	vst v63  }
0x13d: {  	[tilespmem:s9+$0xD0] =	vst v8  }
0x13e: {  	s10 =	simm.s32 $0x0;
	s11 =	simm.s32 $0xF540;
	[tilespmem:s9+$0x1D0] =	vst v0  }
.LBB2_9:
0x13f: {  	v8 =	vld [tilespmem:s11+$0x30];
	[tilespmem:s9+$0xFFFFFEE0] =	vst v1  }
0x140: {  	s10 =	sadd.s32 $0x8, s10;
	v9 =	vld [tilespmem:s11+$0xFFFFFFD0];
	[tilespmem:s9+$0xFFFFFF60] =	vst v2  }
0x141: {  	p0 =	slt.u32 s10, $0xC0;
	v10 =	vld [tilespmem:s11+$0xFFFFFFE0];
	[tilespmem:s9+$0xFFFFFFE0] =	vst v3  }
0x142: {  	v3 =	vld [tilespmem:s11+$0xFFFFFFF0];
	[tilespmem:s9+$0x60] =	vst v4  }
0x143: {  	v2 =	vld [tilespmem:s11+$0x0];
	[tilespmem:s9+$0xE0] =	vst v5  }
0x144: {  	v1 =	vld [tilespmem:s11+$0x10];
	[tilespmem:s9+$0x160] =	vst v6  }
0x145: {  	v0 =	vld [tilespmem:s11+$0x20];
	[tilespmem:s9+$0x1E0] =	vst v7  }
0x146: {  	v4 =	vld [tilespmem:s11+$0xFFFFFFC0]  }
0x147: {  	v5 =	vld.idx.msk [tilespmem:v8+s4+$0x0], $0xffff  }
0x148: {  	v6 =	vld.idx.msk [tilespmem:v8+s23+$0x0], $0xffff  }
0x149: {  	v7 =	vld.idx.msk [tilespmem:v8+s17+$0x0], $0xffff  }
0x14a: {  	v11 =	vld.idx.msk [tilespmem:v8+s18+$0x0], $0xffff  }
0x14b: {  	v12 =	vld.idx.msk [tilespmem:v8+s19+$0x0], $0xffff  }
0x14c: {  	v13 =	vld.idx.msk [tilespmem:v8+s20+$0x0], $0xffff  }
0x14d: {  	s9 =	sadd.s32 $0x400, s9;
	v14 =	vld.idx.msk [tilespmem:v8+s21+$0x0], $0xffff  }
0x14e: {  	v8 =	vld.idx.msk [tilespmem:v8+s22+$0x0], $0xffff;
	[tilespmem:s9+$0x1F0] =	vst v6  }
0x14f: {  	v6 =	vld.idx.msk [tilespmem:v4+s4+$0x0], $0xffff;
	[tilespmem:s9+$0xFFFFFE70] =	vst v5  }
0x150: {  	v5 =	vld.idx.msk [tilespmem:v4+s17+$0x0], $0xffff;
	[tilespmem:s9+$0xFFFFFEF0] =	vst v7  }
0x151: {  	v7 =	vld.idx.msk [tilespmem:v4+s18+$0x0], $0xffff;
	[tilespmem:s9+$0xFFFFFF70] =	vst v11  }
0x152: {  	v11 =	vld.idx.msk [tilespmem:v4+s19+$0x0], $0xffff;
	[tilespmem:s9+$0xFFFFFFF0] =	vst v12  }
0x153: {  	v12 =	vld.idx.msk [tilespmem:v4+s20+$0x0], $0xffff;
	[tilespmem:s9+$0x70] =	vst v13  }
0x154: {  	v13 =	vld.idx.msk [tilespmem:v4+s21+$0x0], $0xffff;
	[tilespmem:s9+$0xF0] =	vst v14  }
0x155: {  	v14 =	vld.idx.msk [tilespmem:v4+s22+$0x0], $0xffff;
	[tilespmem:s9+$0x170] =	vst v8  }
0x156: {  	v4 =	vld.idx.msk [tilespmem:v4+s23+$0x0], $0xffff;
	[tilespmem:s9+$0xFFFFFE00] =	vst v6  }
0x157: {  	[tilespmem:s9+$0xFFFFFE80] =	vst v5;
	v5 =	vld.idx.msk [tilespmem:v9+s4+$0x0], $0xffff  }
0x158: {  	[tilespmem:s9+$0xFFFFFF00] =	vst v7;
	v6 =	vld.idx.msk [tilespmem:v9+s17+$0x0], $0xffff  }
0x159: {  	[tilespmem:s9+$0xFFFFFF80] =	vst v11;
	v7 =	vld.idx.msk [tilespmem:v9+s18+$0x0], $0xffff  }
0x15a: {  	[tilespmem:s9+$0x0] =	vst v12;
	v8 =	vld.idx.msk [tilespmem:v9+s19+$0x0], $0xffff  }
0x15b: {  	[tilespmem:s9+$0x80] =	vst v13;
	v11 =	vld.idx.msk [tilespmem:v9+s20+$0x0], $0xffff  }
0x15c: {  	[tilespmem:s9+$0x100] =	vst v14;
	v12 =	vld.idx.msk [tilespmem:v9+s21+$0x0], $0xffff  }
0x15d: {  	[tilespmem:s9+$0x180] =	vst v4;
	v4 =	vld.idx.msk [tilespmem:v9+s22+$0x0], $0xffff  }
0x15e: {  	v9 =	vld.idx.msk [tilespmem:v9+s23+$0x0], $0xffff;
	[tilespmem:s9+$0xFFFFFE10] =	vst v5  }
0x15f: {  	[tilespmem:s9+$0xFFFFFE90] =	vst v6;
	v5 =	vld.idx.msk [tilespmem:v10+s4+$0x0], $0xffff  }
0x160: {  	[tilespmem:s9+$0xFFFFFF10] =	vst v7;
	v6 =	vld.idx.msk [tilespmem:v10+s17+$0x0], $0xffff  }
0x161: {  	[tilespmem:s9+$0xFFFFFF90] =	vst v8;
	v7 =	vld.idx.msk [tilespmem:v10+s18+$0x0], $0xffff  }
0x162: {  	[tilespmem:s9+$0x10] =	vst v11;
	v8 =	vld.idx.msk [tilespmem:v10+s19+$0x0], $0xffff  }
0x163: {  	[tilespmem:s9+$0x90] =	vst v12;
	v11 =	vld.idx.msk [tilespmem:v10+s20+$0x0], $0xffff  }
0x164: {  	[tilespmem:s9+$0x110] =	vst v4;
	v4 =	vld.idx.msk [tilespmem:v10+s21+$0x0], $0xffff  }
0x165: {  	[tilespmem:s9+$0x190] =	vst v9;
	v9 =	vld.idx.msk [tilespmem:v10+s22+$0x0], $0xffff  }
0x166: {  	v10 =	vld.idx.msk [tilespmem:v10+s23+$0x0], $0xffff;
	[tilespmem:s9+$0xFFFFFE20] =	vst v5  }
0x167: {  	[tilespmem:s9+$0xFFFFFEA0] =	vst v6;
	v5 =	vld.idx.msk [tilespmem:v3+s4+$0x0], $0xffff  }
0x168: {  	[tilespmem:s9+$0xFFFFFF20] =	vst v7;
	v6 =	vld.idx.msk [tilespmem:v3+s17+$0x0], $0xffff  }
0x169: {  	[tilespmem:s9+$0xFFFFFFA0] =	vst v8;
	v7 =	vld.idx.msk [tilespmem:v3+s18+$0x0], $0xffff  }
0x16a: {  	[tilespmem:s9+$0x20] =	vst v11;
	v8 =	vld.idx.msk [tilespmem:v3+s19+$0x0], $0xffff  }
0x16b: {  	[tilespmem:s9+$0xA0] =	vst v4;
	v4 =	vld.idx.msk [tilespmem:v3+s20+$0x0], $0xffff  }
0x16c: {  	[tilespmem:s9+$0x120] =	vst v9;
	v9 =	vld.idx.msk [tilespmem:v3+s21+$0x0], $0xffff  }
0x16d: {  	[tilespmem:s9+$0x1A0] =	vst v10;
	v10 =	vld.idx.msk [tilespmem:v3+s22+$0x0], $0xffff  }
0x16e: {  	v3 =	vld.idx.msk [tilespmem:v3+s23+$0x0], $0xffff;
	[tilespmem:s9+$0xFFFFFE30] =	vst v5  }
0x16f: {  	[tilespmem:s9+$0xFFFFFEB0] =	vst v6;
	v5 =	vld.idx.msk [tilespmem:v2+s4+$0x0], $0xffff  }
0x170: {  	[tilespmem:s9+$0xFFFFFF30] =	vst v7;
	v6 =	vld.idx.msk [tilespmem:v2+s17+$0x0], $0xffff  }
0x171: {  	[tilespmem:s9+$0xFFFFFFB0] =	vst v8;
	v7 =	vld.idx.msk [tilespmem:v2+s18+$0x0], $0xffff  }
0x172: {  	[tilespmem:s9+$0x30] =	vst v4;
	v4 =	vld.idx.msk [tilespmem:v2+s19+$0x0], $0xffff  }
0x173: {  	[tilespmem:s9+$0xB0] =	vst v9;
	v8 =	vld.idx.msk [tilespmem:v2+s20+$0x0], $0xffff  }
0x174: {  	[tilespmem:s9+$0x130] =	vst v10;
	v9 =	vld.idx.msk [tilespmem:v2+s21+$0x0], $0xffff  }
0x175: {  	[tilespmem:s9+$0x1B0] =	vst v3;
	v3 =	vld.idx.msk [tilespmem:v2+s22+$0x0], $0xffff  }
0x176: {  	v2 =	vld.idx.msk [tilespmem:v2+s23+$0x0], $0xffff;
	[tilespmem:s9+$0xFFFFFE40] =	vst v5  }
0x177: {  	[tilespmem:s9+$0xFFFFFEC0] =	vst v6;
	v5 =	vld.idx.msk [tilespmem:v1+s4+$0x0], $0xffff  }
0x178: {  	[tilespmem:s9+$0xFFFFFF40] =	vst v7;
	v6 =	vld.idx.msk [tilespmem:v1+s17+$0x0], $0xffff  }
0x179: {  	[tilespmem:s9+$0xFFFFFFC0] =	vst v4;
	v4 =	vld.idx.msk [tilespmem:v1+s18+$0x0], $0xffff  }
0x17a: {  	[tilespmem:s9+$0x40] =	vst v8;
	v7 =	vld.idx.msk [tilespmem:v1+s19+$0x0], $0xffff  }
0x17b: {  	[tilespmem:s9+$0xC0] =	vst v9;
	v8 =	vld.idx.msk [tilespmem:v1+s20+$0x0], $0xffff  }
0x17c: {  	[tilespmem:s9+$0x140] =	vst v3;
	v9 =	vld.idx.msk [tilespmem:v1+s21+$0x0], $0xffff  }
0x17d: {  	[tilespmem:s9+$0x1C0] =	vst v2;
	v10 =	vld.idx.msk [tilespmem:v1+s22+$0x0], $0xffff  }
0x17e: {  	v11 =	vld.idx.msk [tilespmem:v1+s23+$0x0], $0xffff;
	[tilespmem:s9+$0xFFFFFE50] =	vst v5  }
0x17f: {  	[tilespmem:s9+$0xFFFFFED0] =	vst v6;
	v12 =	vld.idx.msk [tilespmem:v0+s4+$0x0], $0xffff  }
0x180: {  	[tilespmem:s9+$0xFFFFFF50] =	vst v4;
	v1 =	vld.idx.msk [tilespmem:v0+s17+$0x0], $0xffff  }
0x181: {  	[tilespmem:s9+$0xFFFFFFD0] =	vst v7;
	v2 =	vld.idx.msk [tilespmem:v0+s18+$0x0], $0xffff  }
.Ltmp6:
0x182: {  	[tilespmem:s9+$0x50] =	vst v8;
	v3 =	vld.idx.msk [tilespmem:v0+s19+$0x0], $0xffff;
	(pc) =	sbr.rel @p0 .LBB2_9-.Ltmp6, $4  }
0x183: {  	[tilespmem:s9+$0xD0] =	vst v9;
	v4 =	vld.idx.msk [tilespmem:v0+s20+$0x0], $0xffff  }
0x184: {  	[tilespmem:s9+$0x150] =	vst v10;
	v5 =	vld.idx.msk [tilespmem:v0+s21+$0x0], $0xffff  }
0x185: {  	[tilespmem:s9+$0x1D0] =	vst v11;
	v6 =	vld.idx.msk [tilespmem:v0+s22+$0x0], $0xffff  }
0x186: {  	s11 =	sadd.s32 $0x80, s11;
	v7 =	vld.idx.msk [tilespmem:v0+s23+$0x0], $0xffff;
	[tilespmem:s9+$0xFFFFFE60] =	vst v12  }
0x187: {  	[tilespmem:s9+$0xFFFFFEE0] =	vst v1  }
0x188: {  	[tilespmem:s9+$0xFFFFFF60] =	vst v2  }
0x189: {  	[tilespmem:s9+$0xFFFFFFE0] =	vst v3;
	p0 =	seq.s32 s7, $0x18  }
.Ltmp7:
0x18a: {  	[tilespmem:s9+$0x60] =	vst v4;
	(pc) =	sbr.rel @p0 .LBB2_12-.Ltmp7, $4  }
0x18b: {  	[tilespmem:s9+$0xE0] =	vst v5  }
0x18c: {  	[tilespmem:s9+$0x160] =	vst v6  }
0x18d: {  	s11 =	sadd.s32 s8, s15;
	[tilespmem:s9+$0x1E0] =	vst v7  }
0x18e: {  	[hbm4b:s11+s4] =	stream.linear.scatter [tilespmem:s0], [sflag:$0x5], $0x6400, $0x38;
	[tilespmem:$0x10100] =	vst v63  }
.Ltmp8:
0x18f: {  	(pc) =	sbr.rel .LBB2_2-.Ltmp8, $4  }
0x190: {  	s8 =	sshrl.u32 s8, $0x3  }
0x191: {  	s8 =	sadd.s32 s2, s8  }
0x192: {  	s7 =	sadd.s32 $0x1, s7;
	s8 =	sadd.s32 $0x4B0, s8  }
0x193: {  	[tilespmem:s26], [sflag:$0x3] =	stream.linear.gather [hbm4b:s8+s4], $0xC80, $0x38;
	[tilespmem:$0x10100] =	vst v63  }
.LBB2_13:
0x194: {  	_ =	sfence.sel $0x180000  }
0x195: {  	[bflag:$0x0] =	sbarrier.arrive $0xFFFF  }
0x196: {  	_ =	strace $0x90000047  }
0x197: {  	s0 =	stileid.u32;
	[bflag:$0x2] =	sbarrier.arrive $0xFFFF  }
0x198: {  	p0 =	sne.s32 s0, $0x0;
	s0 =	rddreg [dreg:$0x3]  }
0x199: {  	s0 =	sadd.s32 @!p0 $0x100000, s0  }
0x19a: {  	[sflag:s0] =	ssyncadd.tile.s32 @!p0 $0x1;
	_ =	shalt  }
.Lfunc_end2:
_tile_overlayer_lowered:
.L_overlay_start_2:
0x19b: {  	(tag) =	ssettag $0x2  }
0x19c: {  	s0 =	rddreg [dreg:$0x0];
	s2 =	stileid.u32  }
0x19d: {  	s1 =	rddreg [dreg:$0x1];
	p0 =	sne.s32 s2, $0x0  }
0x19e: {  	s3 =	rddreg [dreg:$0x2];
	[bflag:$0x3] =	sbarrier.arrive $0xFFFF;
	s2 =	simm.s32 @!p0 $0x1C06  }
0x19f: {  	[timem:s3], [sflag:s2] =	dma.local @!p0 [hbm:s0], s1  }
0x1a0: {  	s0 =	simm.s32 @!p0 $0x6  }
0x1a1: {  	_ =	swait.ge @!p0 [sflag:s0], s1  }
0x1a2: {  	s1 =	ssub.s32 @!p0 $0x0, s1;
	[sflag:s0] =	ssyncset.done @!p0 $0x0  }
0x1a3: {  	[sflag:s0] =	ssyncadd.s32 @!p0 s1  }
0x1a4: {  	[bflag:$0x3] =	sbarrier.arrive $0xFFFF  }
0x1a5: {  	_ =	shalt  }

</sc_bundles>
